<compile_context>
chip_gen: v7x
topology: tpu7x:2x2x1
jax: 0.10.2.dev20260603
libtpu: 0.0.44.dev20260713+nightly
codegen_flags: <defaults>
</compile_context>

<pallas_src>
import functools

import jax
import jax.numpy as jnp
from jax import lax
from jax.experimental import pallas as pl
from jax.experimental.pallas import tpu as pltpu
from jax.experimental.pallas import tpu_sc as plsc

N = 10000
D = 128
E = 320000
NC = 2
NS = 16
NW = NC * NS
C = 96
NCHUNK = 106
EPP = C * NCHUNK
EPAD = NW * EPP
ACCR = 10160
NPAD = 10240
SLAB = 640
LAST = 400
ZR = 160

_vmesh = functools.partial(
    plsc.VectorSubcoreMesh, core_axis_name="c", subcore_axis_name="s")


def _deg_body(dst_hbm, zeros1_hbm, degp_hbm, acc, dstv, ones, sem):
  c = lax.axis_index("c")
  s = lax.axis_index("s")
  w = c * NS + s
  pltpu.sync_copy(zeros1_hbm.at[pl.ds(s * (NPAD // NS), NPAD // NS)],
                  acc.at[pl.ds(s * (NPAD // NS), NPAD // NS)])
  @pl.loop(0, 8)
  def _(i):
    ones[pl.ds(i * 16, 16)] = jnp.ones((16,), jnp.float32)
  pltpu.async_copy(dst_hbm.at[w], dstv, sem).wait()
  plsc.subcore_barrier()

  @pl.loop(0, NCHUNK)
  def _(j):
    pltpu.sync_copy(ones.at[pl.ds(0, C)], acc.at[dstv.at[j]], add=True)

  plsc.subcore_barrier()
  @pl.when(s == 0)
  def _():
    pltpu.sync_copy(acc, degp_hbm.at[c])


def _deg_partials(dst3, zeros1):
  return pl.kernel(
      _deg_body,
      out_type=jax.ShapeDtypeStruct((NC, NPAD), jnp.float32),
      mesh=_vmesh(),
      scratch_types=[
          pltpu.VMEM_SHARED((NPAD,), jnp.float32),
          pltpu.VMEM((NCHUNK, C), jnp.int32),
          pltpu.VMEM((128,), jnp.float32),
          pltpu.SemaphoreType.DMA,
      ],
  )(dst3, zeros1)


def _mm_body(x_ref, w_ref, h_ref):
  h_ref[...] = jnp.dot(x_ref[...], w_ref[...],
                       preferred_element_type=jnp.float32)


def _matmul(x, W):
  B = 2000
  return pl.pallas_call(
      _mm_body,
      grid=(N // B,),
      in_specs=[
          pl.BlockSpec((B, D), lambda i: (i, 0)),
          pl.BlockSpec((D, D), lambda i: (0, 0)),
      ],
      out_specs=pl.BlockSpec((B, D), lambda i: (i, 0)),
      out_shape=jax.ShapeDtypeStruct((N, D), jnp.float32),
  )(x, W)


def _scale_body(h_ref, d0_ref, d1_ref, scaled_ref, dis_ref):
  deg = d0_ref[...] + d1_ref[...] + 1.0
  dis = 1.0 / jnp.sqrt(deg)
  scaled_ref[...] = h_ref[...] * dis
  dis_ref[...] = dis


def _row_scale(h, deg0, deg1):
  B = 2000
  return pl.pallas_call(
      _scale_body,
      grid=(N // B,),
      in_specs=[
          pl.BlockSpec((B, D), lambda i: (i, 0)),
          pl.BlockSpec((B, 1), lambda i: (i, 0)),
          pl.BlockSpec((B, 1), lambda i: (i, 0)),
      ],
      out_specs=[
          pl.BlockSpec((B, D), lambda i: (i, 0)),
          pl.BlockSpec((B, 1), lambda i: (i, 0)),
      ],
      out_shape=[
          jax.ShapeDtypeStruct((N, D), jnp.float32),
          jax.ShapeDtypeStruct((N, 1), jnp.float32),
      ],
  )(h, deg0, deg1)


def _agg_body(scaled_hbm, src_hbm, dst_hbm, zeros2_hbm, part_hbm,
              acc, srcv, dstv, rows0, rows1, sem0, sem1, isem):
  c = lax.axis_index("c")
  s = lax.axis_index("s")
  w = c * NS + s
  nz = jnp.where(s == NS - 1, (LAST + ACCR - N) // 80, SLAB // 80)

  @pl.loop(0, 8)
  def _(i):
    @pl.when(i < nz)
    def _():
      pltpu.sync_copy(zeros2_hbm.at[pl.ds(0, 80)],
                      acc.at[pl.ds(s * SLAB + i * 80, 80)])
  pltpu.async_copy(src_hbm.at[pl.ds(w * EPP, EPP)], srcv, isem).wait()
  pltpu.async_copy(dst_hbm.at[w], dstv, isem).wait()
  plsc.subcore_barrier()

  pltpu.async_copy(scaled_hbm.at[srcv.at[pl.ds(0, C)]], rows0, sem0)

  @pl.loop(0, NCHUNK, step=2)
  def _(j):
    pltpu.make_async_copy(
        scaled_hbm.at[srcv.at[pl.ds(j * C, C)]], rows0, sem0).wait()
    pltpu.async_copy(
        scaled_hbm.at[srcv.at[pl.ds((j + 1) * C, C)]], rows1, sem1)
    pltpu.sync_copy(rows0, acc.at[dstv.at[j]], add=True)
    @pl.when(j + 2 < NCHUNK)
    def _():
      pltpu.async_copy(
          scaled_hbm.at[srcv.at[pl.ds((j + 2) * C, C)]], rows0, sem0)
    pltpu.make_async_copy(
        scaled_hbm.at[srcv.at[pl.ds((j + 1) * C, C)]], rows1, sem1).wait()
    pltpu.sync_copy(rows1, acc.at[dstv.at[j + 1]], add=True)

  plsc.subcore_barrier()
  @pl.when(s < NS - 1)
  def _():
    pltpu.sync_copy(acc.at[pl.ds(s * SLAB, SLAB)],
                    part_hbm.at[pl.ds(pl.multiple_of(c * N + s * SLAB, 8),
                                      SLAB)])

  @pl.when(s == NS - 1)
  def _():
    pltpu.sync_copy(acc.at[pl.ds(s * SLAB, LAST)],
                    part_hbm.at[pl.ds(pl.multiple_of(c * N + s * SLAB, 8),
                                      LAST)])


def _edge_aggregate(scaled, src_flat, dst3, zeros2):
  return pl.kernel(
      _agg_body,
      out_type=jax.ShapeDtypeStruct((NC * N, D), jnp.float32),
      mesh=_vmesh(),
      scratch_types=[
          pltpu.VMEM_SHARED((ACCR, D), jnp.float32),
          pltpu.VMEM((EPP,), jnp.int32),
          pltpu.VMEM((NCHUNK, C), jnp.int32),
          pltpu.VMEM((C, D), jnp.float32),
          pltpu.VMEM((C, D), jnp.float32),
          pltpu.SemaphoreType.DMA,
          pltpu.SemaphoreType.DMA,
          pltpu.SemaphoreType.DMA,
      ],
  )(scaled, src_flat, dst3, zeros2)


def _ln_body(p0_ref, p1_ref, sc_ref, dis_ref, x_ref, b_ref, g_ref, bt_ref,
             out_ref):
  agg = (p0_ref[...] + p1_ref[...] + sc_ref[...]) * dis_ref[...] + b_ref[...]
  mu = jnp.mean(agg, axis=-1, keepdims=True)
  zc = agg - mu
  var = jnp.mean(zc * zc, axis=-1, keepdims=True)
  ln = zc / jnp.sqrt(var + 1e-5) * g_ref[...] + bt_ref[...]
  out_ref[...] = jnp.maximum(ln, 0.0) + x_ref[...]


def _ln_residual(parts, scaled, dis, x, b, g, bt):
  B = 2000
  grid = (N // B,)
  row = lambda i: (i, 0)
  return pl.pallas_call(
      _ln_body,
      grid=grid,
      in_specs=[
          pl.BlockSpec((B, D), row),
          pl.BlockSpec((B, D), lambda i: (N // B + i, 0)),
          pl.BlockSpec((B, D), row),
          pl.BlockSpec((B, 1), row),
          pl.BlockSpec((B, D), row),
          pl.BlockSpec((1, D), lambda i: (0, 0)),
          pl.BlockSpec((1, D), lambda i: (0, 0)),
          pl.BlockSpec((1, D), lambda i: (0, 0)),
      ],
      out_specs=pl.BlockSpec((B, D), row),
      out_shape=jax.ShapeDtypeStruct((N, D), jnp.float32),
  )(parts, parts, scaled, dis, x, b, g, bt)


def kernel(x, edge_index, W, b, ln_gamma, ln_beta):
  ei = edge_index.astype(jnp.int32)
  npad = EPAD - E
  pad_i = jnp.arange(npad, dtype=jnp.int32)
  src_flat = jnp.concatenate([ei[0], pad_i % N])
  dst_flat = jnp.concatenate([ei[1], N + pad_i % (ACCR - N)])
  dst3 = dst_flat.reshape(NW, NCHUNK, C)
  zeros1 = jnp.zeros((NPAD,), jnp.float32)
  zeros2 = jnp.zeros((ZR, D), jnp.float32)

  h = _matmul(x, W)
  degp = _deg_partials(dst3, zeros1)
  deg0 = degp[0, :N].reshape(N, 1)
  deg1 = degp[1, :N].reshape(N, 1)

  scaled, dis = _row_scale(h, deg0, deg1)

  parts = _edge_aggregate(scaled, src_flat, dst3, zeros2)

  return _ln_residual(parts, scaled, dis, x, b.reshape(1, D),
                      ln_gamma.reshape(1, D), ln_beta.reshape(1, D))

# --- scband reference (transcript-rebuilt; emitter-appended) ---
"""Pipeline reference for scband-sem-gcnlayer-16192026706179 (READ-ONLY COPY).

The authoritative reference and input builder live on the scoring server;
editing this copy changes nothing except your own understanding.
"""

import jax, jax.numpy as jnp
import numpy as np

N = 10000
E = 320000
D = 128

def setup_inputs(seed: int = 0) -> dict:
    key = jax.random.key(seed)
    k1, k2, k3 = jax.random.split(key, 3)
    x = jax.random.normal(k1, (N, D), dtype=jnp.float32)
    edge_index = jax.random.randint(k2, (2, E), 0, N, dtype=jnp.int64)
    # GCNConv weight (glorot-ish) and bias
    W = jax.random.normal(k3, (D, D), dtype=jnp.float32) * (1.0 / np.sqrt(D))
    b = jnp.zeros((D,), dtype=jnp.float32)
    # LayerNorm params
    ln_gamma = jnp.ones((D,), dtype=jnp.float32)
    ln_beta = jnp.zeros((D,), dtype=jnp.float32)
    return {"x": x, "edge_index": edge_index, "W": W, "b": b, "ln_gamma": ln_gamma, "ln_beta": ln_beta}

def reference(x, edge_index, W, b, ln_gamma, ln_beta):
    n = x.shape[0]
    # residual: in_channels == out_channels -> Identity
    res = x
    # --- GCNConv with self-loops and symmetric normalization ---
    self_loops = jnp.arange(n, dtype=edge_index.dtype)
    src = jnp.concatenate([edge_index[0], self_loops])
    dst = jnp.concatenate([edge_index[1], self_loops])
    ones = jnp.ones(src.shape[0], dtype=x.dtype)
    deg = jnp.zeros((n,), dtype=x.dtype).at[dst].add(ones)
    deg_inv_sqrt = jnp.where(deg > 0, 1.0 / jnp.sqrt(deg), 0.0)
    norm = deg_inv_sqrt[src] * deg_inv_sqrt[dst]
    h = x @ W
    msg = h[src] * norm[:, None]
    agg = jax.ops.segment_sum(msg, dst, num_segments=n)
    gcn_out = agg + b
    # --- LayerNorm ---
    mu = jnp.mean(gcn_out, axis=-1, keepdims=True)
    var = jnp.mean((gcn_out - mu) ** 2, axis=-1, keepdims=True)
    ln = (gcn_out - mu) / jnp.sqrt(var + 1e-5) * ln_gamma + ln_beta
    # --- ReLU ---
    act = jnp.maximum(ln, 0.0)
    # --- Dropout(0.4) in eval mode -> identity ---
    return act + res

if __name__ == "__main__":
    import jax
    _d = setup_inputs()
    print(jax.jit(kernel)(*tuple(_d.values())))

</pallas_src>

<mosaic_0001>
#map = affine_map<(d0, d1) -> (0, 0, 0)>
#map1 = affine_map<(d0, d1) -> (0)>
#map2 = affine_map<(d0, d1) -> (0, 0)>
module attributes {stable_mosaic.version = 14 : i64} {
  func.func @_deg_body(%arg0: i32, %arg1: i32, %arg2: memref<32x106x96xi32, #tpu.memory_space<hbm>>, %arg3: memref<10240xf32, #tpu.memory_space<hbm>>, %arg4: memref<2x10240xf32, #tpu.memory_space<hbm>>, %arg5: memref<10240xf32, #tpu.memory_space<vmem_shared>>, %arg6: memref<106x96xi32, #tpu.memory_space<vmem>>, %arg7: memref<128xf32, #tpu.memory_space<vmem>>, %arg8: memref<!tpu.dma_semaphore, #tpu.memory_space<semaphore_mem>>) attributes {dimension_semantics = [#tpu.dimension_semantics<core_parallel>, #tpu.dimension_semantics<subcore_parallel>], iteration_bounds = array<i64: 2, 16>, scalar_prefetch = 0 : i64, scratch_operands = 4 : i64, tpu.core_type = #tpu.core_type<sc_vector_subcore>, window_params = [{transform_indices = #map}, {transform_indices = #map1}, {transform_indices = #map2}]} {
    %mul3A = arith.constant 16 : i32
    %mul3A_0 = arith.muli %arg0, %mul3A : i32
    %add3A = arith.addi %mul3A_0, %arg1 : i32
    %mul3A_1 = arith.constant 640 : i32
    %mul3A_2 = arith.muli %arg1, %mul3A_1 : i32
    %mul3A_3 = arith.constant 640 : i32
    %mul3A_4 = arith.muli %arg1, %mul3A_3 : i32
    "tpu.region"() ({
      %run_scoped3A = tpu.sem_alloc : memref<!tpu.dma_semaphore, #tpu.memory_space<semaphore_mem>>
      %dma_start3A_31 = tpu.memref_slice %arg5[%mul3A_4] : memref<10240xf32, #tpu.memory_space<vmem_shared>> -> memref<640xf32, #tpu.memory_space<vmem_shared>>
      %dma_start3A_32 = tpu.memref_slice %arg3[%mul3A_2] : memref<10240xf32, #tpu.memory_space<hbm>> -> memref<640xf32, #tpu.memory_space<hbm>>
      tpu.enqueue_dma source(%dma_start3A_32 : memref<640xf32, #tpu.memory_space<hbm>>) target(%dma_start3A_31 : memref<640xf32, #tpu.memory_space<vmem_shared>>) target_semaphore(%run_scoped3A : memref<!tpu.dma_semaphore, #tpu.memory_space<semaphore_mem>>)
      %dma_wait3A_33 = tpu.memref_slice %arg5[%mul3A_4] : memref<10240xf32, #tpu.memory_space<vmem_shared>> -> memref<640xf32, #tpu.memory_space<vmem_shared>>
      %dma_wait3A_34 = tpu.memref_slice %arg3[%mul3A_2] : memref<10240xf32, #tpu.memory_space<hbm>> -> memref<640xf32, #tpu.memory_space<hbm>>
      tpu.wait_dma2 semaphore(%run_scoped3A : memref<!tpu.dma_semaphore, #tpu.memory_space<semaphore_mem>>) src(%dma_wait3A_34 : memref<640xf32, #tpu.memory_space<hbm>>) dst(%dma_wait3A_33 : memref<640xf32, #tpu.memory_space<vmem_shared>>)
      tpu.yield
    }) : () -> ()
    %scan3A = arith.constant 0 : i32
    %scan3A_5 = arith.constant 8 : i32
    %scan3A_6 = arith.addi %scan3A, %scan3A_5 : i32
    %scan3A_7 = arith.constant 1 : i32
    scf.for %scan3A_31 = %scan3A to %scan3A_6 step %scan3A_7  : i32 {
      %mul3A_32 = arith.constant 1 : i32
      %mul3A_33 = arith.muli %scan3A_31, %mul3A_32 : i32
      %add3A_34 = arith.constant 0 : i32
      %add3A_35 = arith.addi %add3A_34, %mul3A_33 : i32
      %broadcast_in_dim3A = arith.constant 1.000000e+00 : f32
      %broadcast_in_dim3A_36 = vector.broadcast %broadcast_in_dim3A : f32 to vector<16xf32>
      %mul3A_37 = arith.constant 16 : i32
      %mul3A_38 = arith.muli %add3A_35, %mul3A_37 : i32
      %swap3A = arith.index_cast %mul3A_38 : i32 to index
      %swap3A_39 = tpu.vector_load %arg7[%swap3A] {strides = array<i32>} : memref<128xf32, #tpu.memory_space<vmem>>, vector<16xf32>,
      %swap3A_40 = vector.shape_cast %swap3A_39 : vector<16xf32> to vector<16xf32>
      %swap3A_41 = vector.shape_cast %broadcast_in_dim3A_36 : vector<16xf32> to vector<16xf32>
      tpu.vector_store %arg7[%swap3A], %swap3A_41 {strides = array<i32>} : memref<128xf32, #tpu.memory_space<vmem>>, vector<16xf32>,
    }
    %scan3A_8 = arith.constant 8 : i32
    %dma_start3A = arith.constant 0 : i32
    %dma_start3A_9 = arith.constant 0 : i32
    %dma_start3A_10 = tpu.memref_slice %arg2[%add3A, %dma_start3A, %dma_start3A_9] : memref<32x106x96xi32, #tpu.memory_space<hbm>> -> memref<1x106x96xi32, #tpu.memory_space<hbm>>
    %dma_start3A_11 = tpu.memref_squeeze %dma_start3A_10 : memref<1x106x96xi32, #tpu.memory_space<hbm>> -> memref<106x96xi32, #tpu.memory_space<hbm>>
    %dma_start3A_12 = arith.constant 0 : i32
    %dma_start3A_13 = arith.constant 0 : i32
    %dma_start3A_14 = tpu.memref_slice %arg2[%add3A, %dma_start3A_12, %dma_start3A_13] : memref<32x106x96xi32, #tpu.memory_space<hbm>> -> memref<1x106x96xi32, #tpu.memory_space<hbm>>
    %dma_start3A_15 = tpu.memref_squeeze %dma_start3A_14 : memref<1x106x96xi32, #tpu.memory_space<hbm>> -> memref<106x96xi32, #tpu.memory_space<hbm>>
    tpu.enqueue_dma source(%dma_start3A_15 : memref<106x96xi32, #tpu.memory_space<hbm>>) target(%arg6 : memref<106x96xi32, #tpu.memory_space<vmem>>) target_semaphore(%arg8 : memref<!tpu.dma_semaphore, #tpu.memory_space<semaphore_mem>>)
    %dma_wait3A = arith.constant 0 : i32
    %dma_wait3A_16 = arith.constant 0 : i32
    %dma_wait3A_17 = tpu.memref_slice %arg2[%add3A, %dma_wait3A, %dma_wait3A_16] : memref<32x106x96xi32, #tpu.memory_space<hbm>> -> memref<1x106x96xi32, #tpu.memory_space<hbm>>
    %dma_wait3A_18 = tpu.memref_squeeze %dma_wait3A_17 : memref<1x106x96xi32, #tpu.memory_space<hbm>> -> memref<106x96xi32, #tpu.memory_space<hbm>>
    %dma_wait3A_19 = arith.constant 0 : i32
    %dma_wait3A_20 = arith.constant 0 : i32
    %dma_wait3A_21 = tpu.memref_slice %arg2[%add3A, %dma_wait3A_19, %dma_wait3A_20] : memref<32x106x96xi32, #tpu.memory_space<hbm>> -> memref<1x106x96xi32, #tpu.memory_space<hbm>>
    %dma_wait3A_22 = tpu.memref_squeeze %dma_wait3A_21 : memref<1x106x96xi32, #tpu.memory_space<hbm>> -> memref<106x96xi32, #tpu.memory_space<hbm>>
    tpu.wait_dma2 semaphore(%arg8 : memref<!tpu.dma_semaphore, #tpu.memory_space<semaphore_mem>>) src(%dma_wait3A_22 : memref<106x96xi32, #tpu.memory_space<hbm>>) dst(%arg6 : memref<106x96xi32, #tpu.memory_space<vmem>>)
    %barrier3A = arith.constant 0 : index
    tpu.barrier barrier_id(%barrier3A)
    %scan3A_23 = arith.constant 0 : i32
    %scan3A_24 = arith.constant 106 : i32
    %scan3A_25 = arith.addi %scan3A_23, %scan3A_24 : i32
    %scan3A_26 = arith.constant 1 : i32
    scf.for %scan3A_31 = %scan3A_23 to %scan3A_25 step %scan3A_26  : i32 {
      %mul3A_32 = arith.constant 1 : i32
      %mul3A_33 = arith.muli %scan3A_31, %mul3A_32 : i32
      %add3A_34 = arith.constant 0 : i32
      %add3A_35 = arith.addi %add3A_34, %mul3A_33 : i32
      "tpu.region"() ({
        %run_scoped3A = tpu.sem_alloc : memref<!tpu.dma_semaphore, #tpu.memory_space<semaphore_mem>>
        %dma_start3A_36 = arith.constant 0 : i32
        %dma_start3A_37 = tpu.memref_slice %arg7[%dma_start3A_36] : memref<128xf32, #tpu.memory_space<vmem>> -> memref<96xf32, #tpu.memory_space<vmem>>
        %dma_start3A_38 = arith.constant 0 : i32
        %dma_start3A_39 = tpu.memref_slice %arg6[%add3A_35, %dma_start3A_38] : memref<106x96xi32, #tpu.memory_space<vmem>> -> memref<1x96xi32, #tpu.memory_space<vmem>>
        %dma_start3A_40 = tpu.memref_squeeze %dma_start3A_39 : memref<1x96xi32, #tpu.memory_space<vmem>> -> memref<96xi32, #tpu.memory_space<vmem>>
        %dma_start3A_41 = arith.constant 0 : i32
        %dma_start3A_42 = tpu.memref_slice %arg5[%dma_start3A_41] : memref<10240xf32, #tpu.memory_space<vmem_shared>> -> memref<10240xf32, #tpu.memory_space<vmem_shared>>
        tpu.enqueue_indirect_dma source(%dma_start3A_37 : memref<96xf32, #tpu.memory_space<vmem>>) target(%dma_start3A_42 : memref<10240xf32, #tpu.memory_space<vmem_shared>>) offsets(%dma_start3A_40 : memref<96xi32, #tpu.memory_space<vmem>>) semaphore(%run_scoped3A : memref<!tpu.dma_semaphore, #tpu.memory_space<semaphore_mem>>) {add = true}
        %dma_wait3A_43 = arith.constant 0 : i32
        %dma_wait3A_44 = tpu.memref_slice %arg7[%dma_wait3A_43] : memref<128xf32, #tpu.memory_space<vmem>> -> memref<96xf32, #tpu.memory_space<vmem>>
        %dma_wait3A_45 = arith.constant 0 : i32
        %dma_wait3A_46 = tpu.memref_slice %arg6[%add3A_35, %dma_wait3A_45] : memref<106x96xi32, #tpu.memory_space<vmem>> -> memref<1x96xi32, #tpu.memory_space<vmem>>
        %dma_wait3A_47 = tpu.memref_squeeze %dma_wait3A_46 : memref<1x96xi32, #tpu.memory_space<vmem>> -> memref<96xi32, #tpu.memory_space<vmem>>
        %dma_wait3A_48 = arith.constant 0 : i32
        %dma_wait3A_49 = tpu.memref_slice %arg5[%dma_wait3A_48] : memref<10240xf32, #tpu.memory_space<vmem_shared>> -> memref<10240xf32, #tpu.memory_space<vmem_shared>>
        tpu.wait_indirect_dma semaphore(%run_scoped3A : memref<!tpu.dma_semaphore, #tpu.memory_space<semaphore_mem>>) src(%dma_wait3A_44 : memref<96xf32, #tpu.memory_space<vmem>>) dst(%dma_wait3A_49 : memref<10240xf32, #tpu.memory_space<vmem_shared>>)
        tpu.yield
      }) : () -> ()
    }
    %scan3A_27 = arith.constant 106 : i32
    %barrier3A_28 = arith.constant 0 : index
    tpu.barrier barrier_id(%barrier3A_28)
    %eq3A = arith.constant 0 : i32
    %eq3A_29 = arith.cmpi eq, %arg1, %eq3A : i32
    %convert_element_type3A = arith.extui %eq3A_29 : i1 to i32
    %cond3A = arith.constant 0 : i32
    %cond3A_30 = arith.cmpi ne, %convert_element_type3A, %cond3A : i32
    scf.if %cond3A_30 {
      "tpu.region"() ({
        %run_scoped3A = tpu.sem_alloc : memref<!tpu.dma_semaphore, #tpu.memory_space<semaphore_mem>>
        %dma_start3A_31 = arith.constant 0 : i32
        %dma_start3A_32 = tpu.memref_slice %arg4[%arg0, %dma_start3A_31] : memref<2x10240xf32, #tpu.memory_space<hbm>> -> memref<1x10240xf32, #tpu.memory_space<hbm>>
        %dma_start3A_33 = tpu.memref_squeeze %dma_start3A_32 : memref<1x10240xf32, #tpu.memory_space<hbm>> -> memref<10240xf32, #tpu.memory_space<hbm>>
        tpu.enqueue_dma source(%arg5 : memref<10240xf32, #tpu.memory_space<vmem_shared>>) target(%dma_start3A_33 : memref<10240xf32, #tpu.memory_space<hbm>>) target_semaphore(%run_scoped3A : memref<!tpu.dma_semaphore, #tpu.memory_space<semaphore_mem>>)
        %dma_wait3A_34 = arith.constant 0 : i32
        %dma_wait3A_35 = tpu.memref_slice %arg4[%arg0, %dma_wait3A_34] : memref<2x10240xf32, #tpu.memory_space<hbm>> -> memref<1x10240xf32, #tpu.memory_space<hbm>>
        %dma_wait3A_36 = tpu.memref_squeeze %dma_wait3A_35 : memref<1x10240xf32, #tpu.memory_space<hbm>> -> memref<10240xf32, #tpu.memory_space<hbm>>
        tpu.wait_dma2 semaphore(%run_scoped3A : memref<!tpu.dma_semaphore, #tpu.memory_space<semaphore_mem>>) src(%arg5 : memref<10240xf32, #tpu.memory_space<vmem_shared>>) dst(%dma_wait3A_36 : memref<10240xf32, #tpu.memory_space<hbm>>)
        tpu.yield
      }) : () -> ()
    } else {
    }
    return
  }
}

#map = affine_map<(d0, d1) -> (0, 0)>
#map1 = affine_map<(d0, d1) -> (0)>
#map2 = affine_map<(d0, d1) -> (0, 0, 0)>
module attributes {stable_mosaic.version = 14 : i64} {
  func.func @_agg_body(%arg0: i32, %arg1: i32, %arg2: memref<10000x128xf32, #tpu.memory_space<hbm>>, %arg3: memref<325632xi32, #tpu.memory_space<hbm>>, %arg4: memref<32x106x96xi32, #tpu.memory_space<hbm>>, %arg5: memref<160x128xf32, #tpu.memory_space<hbm>>, %arg6: memref<20000x128xf32, #tpu.memory_space<hbm>>, %arg7: memref<10160x128xf32, #tpu.memory_space<vmem_shared>>, %arg8: memref<10176xi32, #tpu.memory_space<vmem>>, %arg9: memref<106x96xi32, #tpu.memory_space<vmem>>, %arg10: memref<96x128xf32, #tpu.memory_space<vmem>>, %arg11: memref<96x128xf32, #tpu.memory_space<vmem>>, %arg12: memref<!tpu.dma_semaphore, #tpu.memory_space<semaphore_mem>>, %arg13: memref<!tpu.dma_semaphore, #tpu.memory_space<semaphore_mem>>, %arg14: memref<!tpu.dma_semaphore, #tpu.memory_space<semaphore_mem>>) attributes {dimension_semantics = [#tpu.dimension_semantics<core_parallel>, #tpu.dimension_semantics<subcore_parallel>], iteration_bounds = array<i64: 2, 16>, scalar_prefetch = 0 : i64, scratch_operands = 8 : i64, tpu.core_type = #tpu.core_type<sc_vector_subcore>, window_params = [{transform_indices = #map}, {transform_indices = #map1}, {transform_indices = #map2}, {transform_indices = #map}, {transform_indices = #map}]} {
    %mul3A = arith.constant 16 : i32
    %mul3A_0 = arith.muli %arg0, %mul3A : i32
    %add3A = arith.addi %mul3A_0, %arg1 : i32
    %eq3A = arith.constant 15 : i32
    %eq3A_1 = arith.cmpi eq, %arg1, %eq3A : i32
    %jit3A = arith.constant 7 : i32
    %jit3A_2 = arith.constant 8 : i32
    %select_n3A = arith.select %eq3A_1, %jit3A, %jit3A_2 : i32
    %scan3A = arith.constant 0 : i32
    %scan3A_3 = arith.constant 8 : i32
    %scan3A_4 = arith.addi %scan3A, %scan3A_3 : i32
    %scan3A_5 = arith.constant 1 : i32
    scf.for %scan3A_45 = %scan3A to %scan3A_4 step %scan3A_5  : i32 {
      %mul3A_46 = arith.constant 1 : i32
      %mul3A_47 = arith.muli %scan3A_45, %mul3A_46 : i32
      %add3A_48 = arith.constant 0 : i32
      %add3A_49 = arith.addi %add3A_48, %mul3A_47 : i32
      %lt3A_50 = arith.cmpi slt, %add3A_49, %select_n3A : i32
      %convert_element_type3A_51 = arith.extui %lt3A_50 : i1 to i32
      %cond3A_52 = arith.constant 0 : i32
      %cond3A_53 = arith.cmpi ne, %convert_element_type3A_51, %cond3A_52 : i32
      scf.if %cond3A_53 {
        %mul3A_54 = arith.constant 640 : i32
        %mul3A_55 = arith.muli %arg1, %mul3A_54 : i32
        %mul3A_56 = arith.constant 80 : i32
        %mul3A_57 = arith.muli %add3A_49, %mul3A_56 : i32
        %add3A_58 = arith.addi %mul3A_55, %mul3A_57 : i32
        "tpu.region"() ({
          %run_scoped3A = tpu.sem_alloc : memref<!tpu.dma_semaphore, #tpu.memory_space<semaphore_mem>>
          %dma_start3A_59 = arith.constant 0 : i32
          %dma_start3A_60 = tpu.memref_slice %arg7[%add3A_58, %dma_start3A_59] : memref<10160x128xf32, #tpu.memory_space<vmem_shared>> -> memref<80x128xf32, #tpu.memory_space<vmem_shared>>
          %dma_start3A_61 = arith.constant 0 : i32
          %dma_start3A_62 = arith.constant 0 : i32
          %dma_start3A_63 = tpu.memref_slice %arg5[%dma_start3A_61, %dma_start3A_62] : memref<160x128xf32, #tpu.memory_space<hbm>> -> memref<80x128xf32, #tpu.memory_space<hbm>>
          tpu.enqueue_dma source(%dma_start3A_63 : memref<80x128xf32, #tpu.memory_space<hbm>>) target(%dma_start3A_60 : memref<80x128xf32, #tpu.memory_space<vmem_shared>>) target_semaphore(%run_scoped3A : memref<!tpu.dma_semaphore, #tpu.memory_space<semaphore_mem>>)
          %dma_wait3A_64 = arith.constant 0 : i32
          %dma_wait3A_65 = tpu.memref_slice %arg7[%add3A_58, %dma_wait3A_64] : memref<10160x128xf32, #tpu.memory_space<vmem_shared>> -> memref<80x128xf32, #tpu.memory_space<vmem_shared>>
          %dma_wait3A_66 = arith.constant 0 : i32
          %dma_wait3A_67 = arith.constant 0 : i32
          %dma_wait3A_68 = tpu.memref_slice %arg5[%dma_wait3A_66, %dma_wait3A_67] : memref<160x128xf32, #tpu.memory_space<hbm>> -> memref<80x128xf32, #tpu.memory_space<hbm>>
          tpu.wait_dma2 semaphore(%run_scoped3A : memref<!tpu.dma_semaphore, #tpu.memory_space<semaphore_mem>>) src(%dma_wait3A_68 : memref<80x128xf32, #tpu.memory_space<hbm>>) dst(%dma_wait3A_65 : memref<80x128xf32, #tpu.memory_space<vmem_shared>>)
          tpu.yield
        }) : () -> ()
      } else {
      }
    }
    %scan3A_6 = arith.constant 8 : i32
    %mul3A_7 = arith.constant 10176 : i32
    %mul3A_8 = arith.muli %add3A, %mul3A_7 : i32
    %dma_start3A = tpu.memref_slice %arg3[%mul3A_8] : memref<325632xi32, #tpu.memory_space<hbm>> -> memref<10176xi32, #tpu.memory_space<hbm>>
    %dma_start3A_9 = tpu.memref_slice %arg3[%mul3A_8] : memref<325632xi32, #tpu.memory_space<hbm>> -> memref<10176xi32, #tpu.memory_space<hbm>>
    tpu.enqueue_dma source(%dma_start3A_9 : memref<10176xi32, #tpu.memory_space<hbm>>) target(%arg8 : memref<10176xi32, #tpu.memory_space<vmem>>) target_semaphore(%arg14 : memref<!tpu.dma_semaphore, #tpu.memory_space<semaphore_mem>>)
    %dma_wait3A = tpu.memref_slice %arg3[%mul3A_8] : memref<325632xi32, #tpu.memory_space<hbm>> -> memref<10176xi32, #tpu.memory_space<hbm>>
    %dma_wait3A_10 = tpu.memref_slice %arg3[%mul3A_8] : memref<325632xi32, #tpu.memory_space<hbm>> -> memref<10176xi32, #tpu.memory_space<hbm>>
    tpu.wait_dma2 semaphore(%arg14 : memref<!tpu.dma_semaphore, #tpu.memory_space<semaphore_mem>>) src(%dma_wait3A_10 : memref<10176xi32, #tpu.memory_space<hbm>>) dst(%arg8 : memref<10176xi32, #tpu.memory_space<vmem>>)
    %dma_start3A_11 = arith.constant 0 : i32
    %dma_start3A_12 = arith.constant 0 : i32
    %dma_start3A_13 = tpu.memref_slice %arg4[%add3A, %dma_start3A_11, %dma_start3A_12] : memref<32x106x96xi32, #tpu.memory_space<hbm>> -> memref<1x106x96xi32, #tpu.memory_space<hbm>>
    %dma_start3A_14 = tpu.memref_squeeze %dma_start3A_13 : memref<1x106x96xi32, #tpu.memory_space<hbm>> -> memref<106x96xi32, #tpu.memory_space<hbm>>
    %dma_start3A_15 = arith.constant 0 : i32
    %dma_start3A_16 = arith.constant 0 : i32
    %dma_start3A_17 = tpu.memref_slice %arg4[%add3A, %dma_start3A_15, %dma_start3A_16] : memref<32x106x96xi32, #tpu.memory_space<hbm>> -> memref<1x106x96xi32, #tpu.memory_space<hbm>>
    %dma_start3A_18 = tpu.memref_squeeze %dma_start3A_17 : memref<1x106x96xi32, #tpu.memory_space<hbm>> -> memref<106x96xi32, #tpu.memory_space<hbm>>
    tpu.enqueue_dma source(%dma_start3A_18 : memref<106x96xi32, #tpu.memory_space<hbm>>) target(%arg9 : memref<106x96xi32, #tpu.memory_space<vmem>>) target_semaphore(%arg14 : memref<!tpu.dma_semaphore, #tpu.memory_space<semaphore_mem>>)
    %dma_wait3A_19 = arith.constant 0 : i32
    %dma_wait3A_20 = arith.constant 0 : i32
    %dma_wait3A_21 = tpu.memref_slice %arg4[%add3A, %dma_wait3A_19, %dma_wait3A_20] : memref<32x106x96xi32, #tpu.memory_space<hbm>> -> memref<1x106x96xi32, #tpu.memory_space<hbm>>
    %dma_wait3A_22 = tpu.memref_squeeze %dma_wait3A_21 : memref<1x106x96xi32, #tpu.memory_space<hbm>> -> memref<106x96xi32, #tpu.memory_space<hbm>>
    %dma_wait3A_23 = arith.constant 0 : i32
    %dma_wait3A_24 = arith.constant 0 : i32
    %dma_wait3A_25 = tpu.memref_slice %arg4[%add3A, %dma_wait3A_23, %dma_wait3A_24] : memref<32x106x96xi32, #tpu.memory_space<hbm>> -> memref<1x106x96xi32, #tpu.memory_space<hbm>>
    %dma_wait3A_26 = tpu.memref_squeeze %dma_wait3A_25 : memref<1x106x96xi32, #tpu.memory_space<hbm>> -> memref<106x96xi32, #tpu.memory_space<hbm>>
    tpu.wait_dma2 semaphore(%arg14 : memref<!tpu.dma_semaphore, #tpu.memory_space<semaphore_mem>>) src(%dma_wait3A_26 : memref<106x96xi32, #tpu.memory_space<hbm>>) dst(%arg9 : memref<106x96xi32, #tpu.memory_space<vmem>>)
    %barrier3A = arith.constant 0 : index
    tpu.barrier barrier_id(%barrier3A)
    %dma_start3A_27 = arith.constant 0 : i32
    %dma_start3A_28 = tpu.memref_slice %arg8[%dma_start3A_27] : memref<10176xi32, #tpu.memory_space<vmem>> -> memref<96xi32, #tpu.memory_space<vmem>>
    %dma_start3A_29 = arith.constant 0 : i32
    %dma_start3A_30 = arith.constant 0 : i32
    %dma_start3A_31 = tpu.memref_slice %arg2[%dma_start3A_29, %dma_start3A_30] : memref<10000x128xf32, #tpu.memory_space<hbm>> -> memref<10000x128xf32, #tpu.memory_space<hbm>>
    tpu.enqueue_indirect_dma source(%dma_start3A_31 : memref<10000x128xf32, #tpu.memory_space<hbm>>) target(%arg10 : memref<96x128xf32, #tpu.memory_space<vmem>>) offsets(%dma_start3A_28 : memref<96xi32, #tpu.memory_space<vmem>>) semaphore(%arg12 : memref<!tpu.dma_semaphore, #tpu.memory_space<semaphore_mem>>)
    %scan3A_32 = arith.constant 0 : i32
    %scan3A_33 = arith.constant 53 : i32
    %scan3A_34 = arith.addi %scan3A_32, %scan3A_33 : i32
    %scan3A_35 = arith.constant 1 : i32
    scf.for %scan3A_45 = %scan3A_32 to %scan3A_34 step %scan3A_35  : i32 {
      %mul3A_46 = arith.constant 2 : i32
      %mul3A_47 = arith.muli %scan3A_45, %mul3A_46 : i32
      %add3A_48 = arith.constant 0 : i32
      %add3A_49 = arith.addi %add3A_48, %mul3A_47 : i32
      %mul3A_50 = arith.constant 96 : i32
      %mul3A_51 = arith.muli %add3A_49, %mul3A_50 : i32
      %dma_wait3A_52 = tpu.memref_slice %arg8[%mul3A_51] : memref<10176xi32, #tpu.memory_space<vmem>> -> memref<96xi32, #tpu.memory_space<vmem>>
      %dma_wait3A_53 = arith.constant 0 : i32
      %dma_wait3A_54 = arith.constant 0 : i32
      %dma_wait3A_55 = tpu.memref_slice %arg2[%dma_wait3A_53, %dma_wait3A_54] : memref<10000x128xf32, #tpu.memory_space<hbm>> -> memref<10000x128xf32, #tpu.memory_space<hbm>>
      tpu.wait_indirect_dma semaphore(%arg12 : memref<!tpu.dma_semaphore, #tpu.memory_space<semaphore_mem>>) src(%dma_wait3A_55 : memref<10000x128xf32, #tpu.memory_space<hbm>>) dst(%arg10 : memref<96x128xf32, #tpu.memory_space<vmem>>)
      %add3A_56 = arith.constant 1 : i32
      %add3A_57 = arith.addi %add3A_49, %add3A_56 : i32
      %mul3A_58 = arith.constant 96 : i32
      %mul3A_59 = arith.muli %add3A_57, %mul3A_58 : i32
      %dma_start3A_60 = tpu.memref_slice %arg8[%mul3A_59] : memref<10176xi32, #tpu.memory_space<vmem>> -> memref<96xi32, #tpu.memory_space<vmem>>
      %dma_start3A_61 = arith.constant 0 : i32
      %dma_start3A_62 = arith.constant 0 : i32
      %dma_start3A_63 = tpu.memref_slice %arg2[%dma_start3A_61, %dma_start3A_62] : memref<10000x128xf32, #tpu.memory_space<hbm>> -> memref<10000x128xf32, #tpu.memory_space<hbm>>
      tpu.enqueue_indirect_dma source(%dma_start3A_63 : memref<10000x128xf32, #tpu.memory_space<hbm>>) target(%arg11 : memref<96x128xf32, #tpu.memory_space<vmem>>) offsets(%dma_start3A_60 : memref<96xi32, #tpu.memory_space<vmem>>) semaphore(%arg13 : memref<!tpu.dma_semaphore, #tpu.memory_space<semaphore_mem>>)
      "tpu.region"() ({
        %run_scoped3A = tpu.sem_alloc : memref<!tpu.dma_semaphore, #tpu.memory_space<semaphore_mem>>
        %dma_start3A_81 = arith.constant 0 : i32
        %dma_start3A_82 = tpu.memref_slice %arg9[%add3A_49, %dma_start3A_81] : memref<106x96xi32, #tpu.memory_space<vmem>> -> memref<1x96xi32, #tpu.memory_space<vmem>>
        %dma_start3A_83 = tpu.memref_squeeze %dma_start3A_82 : memref<1x96xi32, #tpu.memory_space<vmem>> -> memref<96xi32, #tpu.memory_space<vmem>>
        %dma_start3A_84 = arith.constant 0 : i32
        %dma_start3A_85 = arith.constant 0 : i32
        %dma_start3A_86 = tpu.memref_slice %arg7[%dma_start3A_84, %dma_start3A_85] : memref<10160x128xf32, #tpu.memory_space<vmem_shared>> -> memref<10160x128xf32, #tpu.memory_space<vmem_shared>>
        tpu.enqueue_indirect_dma source(%arg10 : memref<96x128xf32, #tpu.memory_space<vmem>>) target(%dma_start3A_86 : memref<10160x128xf32, #tpu.memory_space<vmem_shared>>) offsets(%dma_start3A_83 : memref<96xi32, #tpu.memory_space<vmem>>) semaphore(%run_scoped3A : memref<!tpu.dma_semaphore, #tpu.memory_space<semaphore_mem>>) {add = true}
        %dma_wait3A_87 = arith.constant 0 : i32
        %dma_wait3A_88 = tpu.memref_slice %arg9[%add3A_49, %dma_wait3A_87] : memref<106x96xi32, #tpu.memory_space<vmem>> -> memref<1x96xi32, #tpu.memory_space<vmem>>
        %dma_wait3A_89 = tpu.memref_squeeze %dma_wait3A_88 : memref<1x96xi32, #tpu.memory_space<vmem>> -> memref<96xi32, #tpu.memory_space<vmem>>
        %dma_wait3A_90 = arith.constant 0 : i32
        %dma_wait3A_91 = arith.constant 0 : i32
        %dma_wait3A_92 = tpu.memref_slice %arg7[%dma_wait3A_90, %dma_wait3A_91] : memref<10160x128xf32, #tpu.memory_space<vmem_shared>> -> memref<10160x128xf32, #tpu.memory_space<vmem_shared>>
        tpu.wait_indirect_dma semaphore(%run_scoped3A : memref<!tpu.dma_semaphore, #tpu.memory_space<semaphore_mem>>) src(%arg10 : memref<96x128xf32, #tpu.memory_space<vmem>>) dst(%dma_wait3A_92 : memref<10160x128xf32, #tpu.memory_space<vmem_shared>>)
        tpu.yield
      }) : () -> ()
      %add3A_64 = arith.constant 2 : i32
      %add3A_65 = arith.addi %add3A_49, %add3A_64 : i32
      %lt3A_66 = arith.constant 106 : i32
      %lt3A_67 = arith.cmpi slt, %add3A_65, %lt3A_66 : i32
      %convert_element_type3A_68 = arith.extui %lt3A_67 : i1 to i32
      %cond3A_69 = arith.constant 0 : i32
      %cond3A_70 = arith.cmpi ne, %convert_element_type3A_68, %cond3A_69 : i32
      scf.if %cond3A_70 {
        %add3A_81 = arith.constant 2 : i32
        %add3A_82 = arith.addi %add3A_49, %add3A_81 : i32
        %mul3A_83 = arith.constant 96 : i32
        %mul3A_84 = arith.muli %add3A_82, %mul3A_83 : i32
        %dma_start3A_85 = tpu.memref_slice %arg8[%mul3A_84] : memref<10176xi32, #tpu.memory_space<vmem>> -> memref<96xi32, #tpu.memory_space<vmem>>
        %dma_start3A_86 = arith.constant 0 : i32
        %dma_start3A_87 = arith.constant 0 : i32
        %dma_start3A_88 = tpu.memref_slice %arg2[%dma_start3A_86, %dma_start3A_87] : memref<10000x128xf32, #tpu.memory_space<hbm>> -> memref<10000x128xf32, #tpu.memory_space<hbm>>
        tpu.enqueue_indirect_dma source(%dma_start3A_88 : memref<10000x128xf32, #tpu.memory_space<hbm>>) target(%arg10 : memref<96x128xf32, #tpu.memory_space<vmem>>) offsets(%dma_start3A_85 : memref<96xi32, #tpu.memory_space<vmem>>) semaphore(%arg12 : memref<!tpu.dma_semaphore, #tpu.memory_space<semaphore_mem>>)
      } else {
      }
      %add3A_71 = arith.constant 1 : i32
      %add3A_72 = arith.addi %add3A_49, %add3A_71 : i32
      %mul3A_73 = arith.constant 96 : i32
      %mul3A_74 = arith.muli %add3A_72, %mul3A_73 : i32
      %dma_wait3A_75 = tpu.memref_slice %arg8[%mul3A_74] : memref<10176xi32, #tpu.memory_space<vmem>> -> memref<96xi32, #tpu.memory_space<vmem>>
      %dma_wait3A_76 = arith.constant 0 : i32
      %dma_wait3A_77 = arith.constant 0 : i32
      %dma_wait3A_78 = tpu.memref_slice %arg2[%dma_wait3A_76, %dma_wait3A_77] : memref<10000x128xf32, #tpu.memory_space<hbm>> -> memref<10000x128xf32, #tpu.memory_space<hbm>>
      tpu.wait_indirect_dma semaphore(%arg13 : memref<!tpu.dma_semaphore, #tpu.memory_space<semaphore_mem>>) src(%dma_wait3A_78 : memref<10000x128xf32, #tpu.memory_space<hbm>>) dst(%arg11 : memref<96x128xf32, #tpu.memory_space<vmem>>)
      %add3A_79 = arith.constant 1 : i32
      %add3A_80 = arith.addi %add3A_49, %add3A_79 : i32
      "tpu.region"() ({
        %run_scoped3A = tpu.sem_alloc : memref<!tpu.dma_semaphore, #tpu.memory_space<semaphore_mem>>
        %dma_start3A_81 = arith.constant 0 : i32
        %dma_start3A_82 = tpu.memref_slice %arg9[%add3A_80, %dma_start3A_81] : memref<106x96xi32, #tpu.memory_space<vmem>> -> memref<1x96xi32, #tpu.memory_space<vmem>>
        %dma_start3A_83 = tpu.memref_squeeze %dma_start3A_82 : memref<1x96xi32, #tpu.memory_space<vmem>> -> memref<96xi32, #tpu.memory_space<vmem>>
        %dma_start3A_84 = arith.constant 0 : i32
        %dma_start3A_85 = arith.constant 0 : i32
        %dma_start3A_86 = tpu.memref_slice %arg7[%dma_start3A_84, %dma_start3A_85] : memref<10160x128xf32, #tpu.memory_space<vmem_shared>> -> memref<10160x128xf32, #tpu.memory_space<vmem_shared>>
        tpu.enqueue_indirect_dma source(%arg11 : memref<96x128xf32, #tpu.memory_space<vmem>>) target(%dma_start3A_86 : memref<10160x128xf32, #tpu.memory_space<vmem_shared>>) offsets(%dma_start3A_83 : memref<96xi32, #tpu.memory_space<vmem>>) semaphore(%run_scoped3A : memref<!tpu.dma_semaphore, #tpu.memory_space<semaphore_mem>>) {add = true}
        %dma_wait3A_87 = arith.constant 0 : i32
        %dma_wait3A_88 = tpu.memref_slice %arg9[%add3A_80, %dma_wait3A_87] : memref<106x96xi32, #tpu.memory_space<vmem>> -> memref<1x96xi32, #tpu.memory_space<vmem>>
        %dma_wait3A_89 = tpu.memref_squeeze %dma_wait3A_88 : memref<1x96xi32, #tpu.memory_space<vmem>> -> memref<96xi32, #tpu.memory_space<vmem>>
        %dma_wait3A_90 = arith.constant 0 : i32
        %dma_wait3A_91 = arith.constant 0 : i32
        %dma_wait3A_92 = tpu.memref_slice %arg7[%dma_wait3A_90, %dma_wait3A_91] : memref<10160x128xf32, #tpu.memory_space<vmem_shared>> -> memref<10160x128xf32, #tpu.memory_space<vmem_shared>>
        tpu.wait_indirect_dma semaphore(%run_scoped3A : memref<!tpu.dma_semaphore, #tpu.memory_space<semaphore_mem>>) src(%arg11 : memref<96x128xf32, #tpu.memory_space<vmem>>) dst(%dma_wait3A_92 : memref<10160x128xf32, #tpu.memory_space<vmem_shared>>)
        tpu.yield
      }) : () -> ()
    }
    %scan3A_36 = arith.constant 53 : i32
    %barrier3A_37 = arith.constant 0 : index
    tpu.barrier barrier_id(%barrier3A_37)
    %lt3A = arith.constant 15 : i32
    %lt3A_38 = arith.cmpi slt, %arg1, %lt3A : i32
    %convert_element_type3A = arith.extui %lt3A_38 : i1 to i32
    %cond3A = arith.constant 0 : i32
    %cond3A_39 = arith.cmpi ne, %convert_element_type3A, %cond3A : i32
    scf.if %cond3A_39 {
      %mul3A_45 = arith.constant 640 : i32
      %mul3A_46 = arith.muli %arg1, %mul3A_45 : i32
      %mul3A_47 = arith.constant 10000 : i32
      %mul3A_48 = arith.muli %arg0, %mul3A_47 : i32
      %mul3A_49 = arith.constant 640 : i32
      %mul3A_50 = arith.muli %arg1, %mul3A_49 : i32
      %add3A_51 = arith.addi %mul3A_48, %mul3A_50 : i32
      %multiple_of3A = tpu.assume_multiple %add3A_51, 8 : i32
      "tpu.region"() ({
        %run_scoped3A = tpu.sem_alloc : memref<!tpu.dma_semaphore, #tpu.memory_space<semaphore_mem>>
        %dma_start3A_52 = arith.constant 0 : i32
        %dma_start3A_53 = tpu.memref_slice %arg6[%multiple_of3A, %dma_start3A_52] : memref<20000x128xf32, #tpu.memory_space<hbm>> -> memref<640x128xf32, #tpu.memory_space<hbm>>
        %dma_start3A_54 = arith.constant 0 : i32
        %dma_start3A_55 = tpu.memref_slice %arg7[%mul3A_46, %dma_start3A_54] : memref<10160x128xf32, #tpu.memory_space<vmem_shared>> -> memref<640x128xf32, #tpu.memory_space<vmem_shared>>
        tpu.enqueue_dma source(%dma_start3A_55 : memref<640x128xf32, #tpu.memory_space<vmem_shared>>) target(%dma_start3A_53 : memref<640x128xf32, #tpu.memory_space<hbm>>) target_semaphore(%run_scoped3A : memref<!tpu.dma_semaphore, #tpu.memory_space<semaphore_mem>>)
        %dma_wait3A_56 = arith.constant 0 : i32
        %dma_wait3A_57 = tpu.memref_slice %arg6[%multiple_of3A, %dma_wait3A_56] : memref<20000x128xf32, #tpu.memory_space<hbm>> -> memref<640x128xf32, #tpu.memory_space<hbm>>
        %dma_wait3A_58 = arith.constant 0 : i32
        %dma_wait3A_59 = tpu.memref_slice %arg7[%mul3A_46, %dma_wait3A_58] : memref<10160x128xf32, #tpu.memory_space<vmem_shared>> -> memref<640x128xf32, #tpu.memory_space<vmem_shared>>
        tpu.wait_dma2 semaphore(%run_scoped3A : memref<!tpu.dma_semaphore, #tpu.memory_space<semaphore_mem>>) src(%dma_wait3A_59 : memref<640x128xf32, #tpu.memory_space<vmem_shared>>) dst(%dma_wait3A_57 : memref<640x128xf32, #tpu.memory_space<hbm>>)
        tpu.yield
      }) : () -> ()
    } else {
    }
    %eq3A_40 = arith.constant 15 : i32
    %eq3A_41 = arith.cmpi eq, %arg1, %eq3A_40 : i32
    %convert_element_type3A_42 = arith.extui %eq3A_41 : i1 to i32
    %cond3A_43 = arith.constant 0 : i32
    %cond3A_44 = arith.cmpi ne, %convert_element_type3A_42, %cond3A_43 : i32
    scf.if %cond3A_44 {
      %mul3A_45 = arith.constant 640 : i32
      %mul3A_46 = arith.muli %arg1, %mul3A_45 : i32
      %mul3A_47 = arith.constant 10000 : i32
      %mul3A_48 = arith.muli %arg0, %mul3A_47 : i32
      %mul3A_49 = arith.constant 640 : i32
      %mul3A_50 = arith.muli %arg1, %mul3A_49 : i32
      %add3A_51 = arith.addi %mul3A_48, %mul3A_50 : i32
      %multiple_of3A = tpu.assume_multiple %add3A_51, 8 : i32
      "tpu.region"() ({
        %run_scoped3A = tpu.sem_alloc : memref<!tpu.dma_semaphore, #tpu.memory_space<semaphore_mem>>
        %dma_start3A_52 = arith.constant 0 : i32
        %dma_start3A_53 = tpu.memref_slice %arg6[%multiple_of3A, %dma_start3A_52] : memref<20000x128xf32, #tpu.memory_space<hbm>> -> memref<400x128xf32, #tpu.memory_space<hbm>>
        %dma_start3A_54 = arith.constant 0 : i32
        %dma_start3A_55 = tpu.memref_slice %arg7[%mul3A_46, %dma_start3A_54] : memref<10160x128xf32, #tpu.memory_space<vmem_shared>> -> memref<400x128xf32, #tpu.memory_space<vmem_shared>>
        tpu.enqueue_dma source(%dma_start3A_55 : memref<400x128xf32, #tpu.memory_space<vmem_shared>>) target(%dma_start3A_53 : memref<400x128xf32, #tpu.memory_space<hbm>>) target_semaphore(%run_scoped3A : memref<!tpu.dma_semaphore, #tpu.memory_space<semaphore_mem>>)
        %dma_wait3A_56 = arith.constant 0 : i32
        %dma_wait3A_57 = tpu.memref_slice %arg6[%multiple_of3A, %dma_wait3A_56] : memref<20000x128xf32, #tpu.memory_space<hbm>> -> memref<400x128xf32, #tpu.memory_space<hbm>>
        %dma_wait3A_58 = arith.constant 0 : i32
        %dma_wait3A_59 = tpu.memref_slice %arg7[%mul3A_46, %dma_wait3A_58] : memref<10160x128xf32, #tpu.memory_space<vmem_shared>> -> memref<400x128xf32, #tpu.memory_space<vmem_shared>>
        tpu.wait_dma2 semaphore(%run_scoped3A : memref<!tpu.dma_semaphore, #tpu.memory_space<semaphore_mem>>) src(%dma_wait3A_59 : memref<400x128xf32, #tpu.memory_space<vmem_shared>>) dst(%dma_wait3A_57 : memref<400x128xf32, #tpu.memory_space<hbm>>)
        tpu.yield
      }) : () -> ()
    } else {
    }
    return
  }
}

module attributes {stable_mosaic.version = 14 : i64} {
  func.func @_mm_body(%arg0: i32, %arg1: memref<2000x128xf32, #tpu.memory_space<vmem>>, %arg2: memref<128x128xf32, #tpu.memory_space<vmem>>, %arg3: memref<2000x128xf32, #tpu.memory_space<vmem>>) attributes {dimension_semantics = [#tpu.dimension_semantics<arbitrary>], iteration_bounds = array<i64: 5>, scalar_prefetch = 0 : i64, scratch_operands = 0 : i64, tpu.core_type = #tpu.core_type<tc>, window_params = [{transform_indices = @transform_0, window_bounds = array<i64: 2000, 128>}, {pipeline_mode = #tpu.pipeline_mode<synchronous>, transform_indices = @transform_1, window_bounds = array<i64: 128, 128>}, {transform_indices = @transform_2, window_bounds = array<i64: 2000, 128>}]} {
    %get3A = arith.constant 0 : index
    %get3A_0 = arith.constant 0 : index
    %get3A_1 = vector.load %arg1[%get3A, %get3A_0] : memref<2000x128xf32, #tpu.memory_space<vmem>>, vector<2000x128xf32>
    %get3A_2 = arith.constant 0 : index
    %get3A_3 = arith.constant 0 : index
    %get3A_4 = vector.load %arg2[%get3A_2, %get3A_3] : memref<128x128xf32, #tpu.memory_space<vmem>>, vector<128x128xf32>
    %dot_general3A = arith.constant dense<0.000000e+00> : vector<2000x128xf32>
    %dot_general3A_5 = tpu.matmul %get3A_1, %get3A_4, %dot_general3A {dimension_numbers = #tpu.dot_dimension_numbers<[1], [0], [0], [1], [0, 0, 1, 1], [], []>, transpose_lhs_hint = false} : vector<2000x128xf32>, vector<128x128xf32>, vector<2000x128xf32> -> vector<2000x128xf32>
    %swap3A = arith.constant 0 : index
    %swap3A_6 = arith.constant 0 : index
    %swap3A_7 = vector.load %arg3[%swap3A, %swap3A_6] : memref<2000x128xf32, #tpu.memory_space<vmem>>, vector<2000x128xf32>
    tpu.vector_store %arg3[%swap3A, %swap3A_6], %dot_general3A_5 {strides = array<i32>} : memref<2000x128xf32, #tpu.memory_space<vmem>>, vector<2000x128xf32>,
    return
  }
  func.func @transform_0(%arg0: i32) -> (i32, i32) {
    %c0_i32 = arith.constant 0 : i32
    %c0_i32_0 = arith.constant 0 : i32
    return %arg0, %c0_i32 : i32, i32
  }
  func.func @transform_1(%arg0: i32) -> (i32, i32) {
    %c0_i32 = arith.constant 0 : i32
    %c0_i32_0 = arith.constant 0 : i32
    %c0_i32_1 = arith.constant 0 : i32
    return %c0_i32, %c0_i32_0 : i32, i32
  }
  func.func @transform_2(%arg0: i32) -> (i32, i32) {
    %c0_i32 = arith.constant 0 : i32
    %c0_i32_0 = arith.constant 0 : i32
    return %arg0, %c0_i32 : i32, i32
  }
}

module attributes {stable_mosaic.version = 14 : i64} {
  func.func @_scale_body(%arg0: i32, %arg1: memref<2000x128xf32, #tpu.memory_space<vmem>>, %arg2: memref<2000x1xf32, #tpu.memory_space<vmem>>, %arg3: memref<2000x1xf32, #tpu.memory_space<vmem>>, %arg4: memref<2000x128xf32, #tpu.memory_space<vmem>>, %arg5: memref<2000x1xf32, #tpu.memory_space<vmem>>) attributes {dimension_semantics = [#tpu.dimension_semantics<arbitrary>], iteration_bounds = array<i64: 5>, scalar_prefetch = 0 : i64, scratch_operands = 0 : i64, tpu.core_type = #tpu.core_type<tc>, window_params = [{transform_indices = @transform_0, window_bounds = array<i64: 2000, 128>}, {transform_indices = @transform_1, window_bounds = array<i64: 2000, 1>}, {transform_indices = @transform_2, window_bounds = array<i64: 2000, 1>}, {transform_indices = @transform_3, window_bounds = array<i64: 2000, 128>}, {transform_indices = @transform_4, window_bounds = array<i64: 2000, 1>}]} {
    %get3A = arith.constant 0 : index
    %get3A_0 = arith.constant 0 : index
    %get3A_1 = vector.load %arg2[%get3A, %get3A_0] : memref<2000x1xf32, #tpu.memory_space<vmem>>, vector<2000x1xf32>
    %get3A_2 = arith.constant 0 : index
    %get3A_3 = arith.constant 0 : index
    %get3A_4 = vector.load %arg3[%get3A_2, %get3A_3] : memref<2000x1xf32, #tpu.memory_space<vmem>>, vector<2000x1xf32>
    %add3A = arith.addf %get3A_1, %get3A_4 : vector<2000x1xf32>
    %add3A_5 = arith.constant 1.000000e+00 : f32
    %add3A_6 = vector.broadcast %add3A_5 : f32 to vector<2000x1xf32>
    %add3A_7 = arith.addf %add3A, %add3A_6 : vector<2000x1xf32>
    %sqrt3A = math.sqrt %add3A_7 : vector<2000x1xf32>
    %div3A = arith.constant 1.000000e+00 : f32
    %div3A_8 = vector.broadcast %div3A : f32 to vector<2000x1xf32>
    %div3A_9 = arith.divf %div3A_8, %sqrt3A : vector<2000x1xf32>
    %get3A_10 = arith.constant 0 : index
    %get3A_11 = arith.constant 0 : index
    %get3A_12 = vector.load %arg1[%get3A_10, %get3A_11] : memref<2000x128xf32, #tpu.memory_space<vmem>>, vector<2000x128xf32>
    %mul3A = vector.broadcast %div3A_9 : vector<2000x1xf32> to vector<2000x128xf32>
    %mul3A_13 = arith.mulf %get3A_12, %mul3A : vector<2000x128xf32>
    %swap3A = arith.constant 0 : index
    %swap3A_14 = arith.constant 0 : index
    %swap3A_15 = vector.load %arg4[%swap3A, %swap3A_14] : memref<2000x128xf32, #tpu.memory_space<vmem>>, vector<2000x128xf32>
    tpu.vector_store %arg4[%swap3A, %swap3A_14], %mul3A_13 {strides = array<i32>} : memref<2000x128xf32, #tpu.memory_space<vmem>>, vector<2000x128xf32>,
    %swap3A_16 = arith.constant 0 : index
    %swap3A_17 = arith.constant 0 : index
    %swap3A_18 = vector.load %arg5[%swap3A_16, %swap3A_17] : memref<2000x1xf32, #tpu.memory_space<vmem>>, vector<2000x1xf32>
    tpu.vector_store %arg5[%swap3A_16, %swap3A_17], %div3A_9 {strides = array<i32>} : memref<2000x1xf32, #tpu.memory_space<vmem>>, vector<2000x1xf32>,
    return
  }
  func.func @transform_0(%arg0: i32) -> (i32, i32) {
    %c0_i32 = arith.constant 0 : i32
    %c0_i32_0 = arith.constant 0 : i32
    return %arg0, %c0_i32 : i32, i32
  }
  func.func @transform_1(%arg0: i32) -> (i32, i32) {
    %c0_i32 = arith.constant 0 : i32
    %c0_i32_0 = arith.constant 0 : i32
    return %arg0, %c0_i32 : i32, i32
  }
  func.func @transform_2(%arg0: i32) -> (i32, i32) {
    %c0_i32 = arith.constant 0 : i32
    %c0_i32_0 = arith.constant 0 : i32
    return %arg0, %c0_i32 : i32, i32
  }
  func.func @transform_3(%arg0: i32) -> (i32, i32) {
    %c0_i32 = arith.constant 0 : i32
    %c0_i32_0 = arith.constant 0 : i32
    return %arg0, %c0_i32 : i32, i32
  }
  func.func @transform_4(%arg0: i32) -> (i32, i32) {
    %c0_i32 = arith.constant 0 : i32
    %c0_i32_0 = arith.constant 0 : i32
    return %arg0, %c0_i32 : i32, i32
  }
}

module attributes {stable_mosaic.version = 14 : i64} {
  func.func @_ln_body(%arg0: i32, %arg1: memref<2000x128xf32, #tpu.memory_space<vmem>>, %arg2: memref<2000x128xf32, #tpu.memory_space<vmem>>, %arg3: memref<2000x128xf32, #tpu.memory_space<vmem>>, %arg4: memref<2000x1xf32, #tpu.memory_space<vmem>>, %arg5: memref<2000x128xf32, #tpu.memory_space<vmem>>, %arg6: memref<1x128xf32, #tpu.memory_space<vmem>>, %arg7: memref<1x128xf32, #tpu.memory_space<vmem>>, %arg8: memref<1x128xf32, #tpu.memory_space<vmem>>, %arg9: memref<2000x128xf32, #tpu.memory_space<vmem>>) attributes {dimension_semantics = [#tpu.dimension_semantics<arbitrary>], iteration_bounds = array<i64: 5>, scalar_prefetch = 0 : i64, scratch_operands = 0 : i64, tpu.core_type = #tpu.core_type<tc>, window_params = [{transform_indices = @transform_0, window_bounds = array<i64: 2000, 128>}, {transform_indices = @transform_1, window_bounds = array<i64: 2000, 128>}, {transform_indices = @transform_2, window_bounds = array<i64: 2000, 128>}, {transform_indices = @transform_3, window_bounds = array<i64: 2000, 1>}, {transform_indices = @transform_4, window_bounds = array<i64: 2000, 128>}, {pipeline_mode = #tpu.pipeline_mode<synchronous>, transform_indices = @transform_5, window_bounds = array<i64: 1, 128>}, {pipeline_mode = #tpu.pipeline_mode<synchronous>, transform_indices = @transform_6, window_bounds = array<i64: 1, 128>}, {pipeline_mode = #tpu.pipeline_mode<synchronous>, transform_indices = @transform_7, window_bounds = array<i64: 1, 128>}, {transform_indices = @transform_8, window_bounds = array<i64: 2000, 128>}]} {
    %get3A = arith.constant 0 : index
    %get3A_0 = arith.constant 0 : index
    %get3A_1 = vector.load %arg1[%get3A, %get3A_0] : memref<2000x128xf32, #tpu.memory_space<vmem>>, vector<2000x128xf32>
    %get3A_2 = arith.constant 0 : index
    %get3A_3 = arith.constant 0 : index
    %get3A_4 = vector.load %arg2[%get3A_2, %get3A_3] : memref<2000x128xf32, #tpu.memory_space<vmem>>, vector<2000x128xf32>
    %add3A = arith.addf %get3A_1, %get3A_4 : vector<2000x128xf32>
    %get3A_5 = arith.constant 0 : index
    %get3A_6 = arith.constant 0 : index
    %get3A_7 = vector.load %arg3[%get3A_5, %get3A_6] : memref<2000x128xf32, #tpu.memory_space<vmem>>, vector<2000x128xf32>
    %add3A_8 = arith.addf %add3A, %get3A_7 : vector<2000x128xf32>
    %get3A_9 = arith.constant 0 : index
    %get3A_10 = arith.constant 0 : index
    %get3A_11 = vector.load %arg4[%get3A_9, %get3A_10] : memref<2000x1xf32, #tpu.memory_space<vmem>>, vector<2000x1xf32>
    %mul3A = vector.broadcast %get3A_11 : vector<2000x1xf32> to vector<2000x128xf32>
    %mul3A_12 = arith.mulf %add3A_8, %mul3A : vector<2000x128xf32>
    %get3A_13 = arith.constant 0 : index
    %get3A_14 = arith.constant 0 : index
    %get3A_15 = vector.load %arg6[%get3A_13, %get3A_14] : memref<1x128xf32, #tpu.memory_space<vmem>>, vector<1x128xf32>
    %add3A_16 = vector.broadcast %get3A_15 : vector<1x128xf32> to vector<2000x128xf32>
    %add3A_17 = arith.addf %mul3A_12, %add3A_16 : vector<2000x128xf32>
    %reduce_sum3A = arith.constant dense<0.000000e+00> : vector<2000xf32>
    %reduce_sum3A_18 = vector.multi_reduction <add>, %add3A_17, %reduce_sum3A [1] : vector<2000x128xf32> to vector<2000xf32>
    %broadcast_in_dim3A = vector.shape_cast %reduce_sum3A_18 : vector<2000xf32> to vector<2000x1xf32>
    %div3A = arith.constant 1.280000e+02 : f32
    %div3A_19 = vector.broadcast %div3A : f32 to vector<2000x1xf32>
    %div3A_20 = arith.divf %broadcast_in_dim3A, %div3A_19 : vector<2000x1xf32>
    %sub3A = vector.broadcast %div3A_20 : vector<2000x1xf32> to vector<2000x128xf32>
    %sub3A_21 = arith.subf %add3A_17, %sub3A : vector<2000x128xf32>
    %mul3A_22 = arith.mulf %sub3A_21, %sub3A_21 : vector<2000x128xf32>
    %reduce_sum3A_23 = arith.constant dense<0.000000e+00> : vector<2000xf32>
    %reduce_sum3A_24 = vector.multi_reduction <add>, %mul3A_22, %reduce_sum3A_23 [1] : vector<2000x128xf32> to vector<2000xf32>
    %broadcast_in_dim3A_25 = vector.shape_cast %reduce_sum3A_24 : vector<2000xf32> to vector<2000x1xf32>
    %div3A_26 = arith.constant 1.280000e+02 : f32
    %div3A_27 = vector.broadcast %div3A_26 : f32 to vector<2000x1xf32>
    %div3A_28 = arith.divf %broadcast_in_dim3A_25, %div3A_27 : vector<2000x1xf32>
    %add3A_29 = arith.constant 9.99999974E-6 : f32
    %add3A_30 = vector.broadcast %add3A_29 : f32 to vector<2000x1xf32>
    %add3A_31 = arith.addf %div3A_28, %add3A_30 : vector<2000x1xf32>
    %sqrt3A = math.sqrt %add3A_31 : vector<2000x1xf32>
    %div3A_32 = vector.broadcast %sqrt3A : vector<2000x1xf32> to vector<2000x128xf32>
    %div3A_33 = arith.divf %sub3A_21, %div3A_32 : vector<2000x128xf32>
    %get3A_34 = arith.constant 0 : index
    %get3A_35 = arith.constant 0 : index
    %get3A_36 = vector.load %arg7[%get3A_34, %get3A_35] : memref<1x128xf32, #tpu.memory_space<vmem>>, vector<1x128xf32>
    %mul3A_37 = vector.broadcast %get3A_36 : vector<1x128xf32> to vector<2000x128xf32>
    %mul3A_38 = arith.mulf %div3A_33, %mul3A_37 : vector<2000x128xf32>
    %get3A_39 = arith.constant 0 : index
    %get3A_40 = arith.constant 0 : index
    %get3A_41 = vector.load %arg8[%get3A_39, %get3A_40] : memref<1x128xf32, #tpu.memory_space<vmem>>, vector<1x128xf32>
    %add3A_42 = vector.broadcast %get3A_41 : vector<1x128xf32> to vector<2000x128xf32>
    %add3A_43 = arith.addf %mul3A_38, %add3A_42 : vector<2000x128xf32>
    %max3A = arith.constant 0.000000e+00 : f32
    %max3A_44 = vector.broadcast %max3A : f32 to vector<2000x128xf32>
    %max3A_45 = arith.maximumf %add3A_43, %max3A_44 : vector<2000x128xf32>
    %get3A_46 = arith.constant 0 : index
    %get3A_47 = arith.constant 0 : index
    %get3A_48 = vector.load %arg5[%get3A_46, %get3A_47] : memref<2000x128xf32, #tpu.memory_space<vmem>>, vector<2000x128xf32>
    %add3A_49 = arith.addf %max3A_45, %get3A_48 : vector<2000x128xf32>
    %swap3A = arith.constant 0 : index
    %swap3A_50 = arith.constant 0 : index
    %swap3A_51 = vector.load %arg9[%swap3A, %swap3A_50] : memref<2000x128xf32, #tpu.memory_space<vmem>>, vector<2000x128xf32>
    tpu.vector_store %arg9[%swap3A, %swap3A_50], %add3A_49 {strides = array<i32>} : memref<2000x128xf32, #tpu.memory_space<vmem>>, vector<2000x128xf32>,
    return
  }
  func.func @transform_0(%arg0: i32) -> (i32, i32) {
    %c0_i32 = arith.constant 0 : i32
    %c0_i32_0 = arith.constant 0 : i32
    return %arg0, %c0_i32 : i32, i32
  }
  func.func @transform_1(%arg0: i32) -> (i32, i32) {
    %add3A = arith.constant 5 : i32
    %add3A_0 = arith.addi %add3A, %arg0 : i32
    %c0_i32 = arith.constant 0 : i32
    %c0_i32_1 = arith.constant 0 : i32
    return %add3A_0, %c0_i32 : i32, i32
  }
  func.func @transform_2(%arg0: i32) -> (i32, i32) {
    %c0_i32 = arith.constant 0 : i32
    %c0_i32_0 = arith.constant 0 : i32
    return %arg0, %c0_i32 : i32, i32
  }
  func.func @transform_3(%arg0: i32) -> (i32, i32) {
    %c0_i32 = arith.constant 0 : i32
    %c0_i32_0 = arith.constant 0 : i32
    return %arg0, %c0_i32 : i32, i32
  }
  func.func @transform_4(%arg0: i32) -> (i32, i32) {
    %c0_i32 = arith.constant 0 : i32
    %c0_i32_0 = arith.constant 0 : i32
    return %arg0, %c0_i32 : i32, i32
  }
  func.func @transform_5(%arg0: i32) -> (i32, i32) {
    %c0_i32 = arith.constant 0 : i32
    %c0_i32_0 = arith.constant 0 : i32
    %c0_i32_1 = arith.constant 0 : i32
    return %c0_i32, %c0_i32_0 : i32, i32
  }
  func.func @transform_6(%arg0: i32) -> (i32, i32) {
    %c0_i32 = arith.constant 0 : i32
    %c0_i32_0 = arith.constant 0 : i32
    %c0_i32_1 = arith.constant 0 : i32
    return %c0_i32, %c0_i32_0 : i32, i32
  }
  func.func @transform_7(%arg0: i32) -> (i32, i32) {
    %c0_i32 = arith.constant 0 : i32
    %c0_i32_0 = arith.constant 0 : i32
    %c0_i32_1 = arith.constant 0 : i32
    return %c0_i32, %c0_i32_0 : i32, i32
  }
  func.func @transform_8(%arg0: i32) -> (i32, i32) {
    %c0_i32 = arith.constant 0 : i32
    %c0_i32_0 = arith.constant 0 : i32
    return %arg0, %c0_i32 : i32, i32
  }
}

</mosaic_0001>

<sc_bundles>
// kernel: kernel.10.cloned.1.call-start
scs
__scs_entry_jumppad:
0x0: {  	(pc) =	sbr.rel $0x88, $3  }
0x1: {  	(tag) =	ssettag $0x0;
	lr =	simm.s32 $0x1  }
0x2: {  	[smem:$0x3F9B] =	sst lr;
	_ =	strace $0xD0000000  }
0x3: {  	_ = 	snop  }
0x4: {  	_ = 	snop  }
0x5: {  	_ = 	snop  }
0x6: {  	_ = 	snop  }
0x7: {  	_ = 	snop  }
__scs_overlays_trampoline_lowered:
0x8: {  	[smem:$0x3FAA] =	sst s0  }
0x9: {  	[smem:$0x3FAB] =	sst s1  }
0xa: {  	[smem:$0x3FAC] =	sst s2  }
0xb: {  	[smem:$0x3FAD] =	sst s3  }
0xc: {  	[smem:$0x3FAE] =	sst s4  }
0xd: {  	[smem:$0x3FAF] =	sst s5  }
0xe: {  	[smem:$0x3FB0] =	sst s6  }
0xf: {  	[smem:$0x3FB1] =	sst s7  }
0x10: {  	[smem:$0x3FB2] =	sst s8  }
0x11: {  	[smem:$0x3FB3] =	sst s9;
	s0 =	simm.s32 @!p0 $0x0  }
0x12: {  	s1 =	sld [smem:$0x3F99];
	s0 =	simm.s32 @p0 $0x1  }
0x13: {  	[smem:$0x3FB4] =	sst s0;
	s0 =	simm.s32 @!p1 $0x0  }
0x14: {  	s2 =	sld [smem:$0x3F98];
	s0 =	simm.s32 @p1 $0x1  }
0x15: {  	[smem:$0x3FB5] =	sst s0;
	s0 =	simm.s32 @!p2 $0x0  }
0x16: {  	s3 =	sld [smem:$0x3FDB];
	s0 =	simm.s32 @p2 $0x1  }
0x17: {  	s4 =	simm.s32 $0x1BF5;
	[smem:$0x3FB7] =	sst s0  }
0x18: {  	s0 =	sld [smem:$0x3F9A];
	_ =	swait.ge [sflag:s4], $0x0  }
0x19: {  	s7 =	sld [smem:$0x3F9B]  }
0x1a: {  	s8 =	sadd.s32 $0xFFFFE003, lr  }
0x1b: {  	s9 =	sadd.s32 $0xFFFFFEF7, lr;
	s5 =	simm.s32 $0xFFFFFFFF;
	p2 =	slt.u32 s8, $0xFFFFF086  }
0x1c: {  	p1 =	slt.u32 s9, $0xF7A;
	s5 =	simm.s32 @!p2 $0x0  }
0x1d: {  	s5 =	simm.s32 @p1 $0x1;
	p0 =	seq.s32 s7, s2  }
0x1e: {  	s7 =	smul.u32 @!p0 $0xF7A, s2;
	p2 =	seq.s32 @!p0 s5, $0x0  }
0x1f: {  	s9 =	smul.u32 $0xF7A, s1;
	s8 =	simm.s32 @!p0 $0x1BF5;
	p2 =	por !p2, p0  }
0x20: {  	[sflag:s8] =	ssyncset.s32 @!p0 $0xFFFFF086;
	s6 =	sadd.s32 @!p0 s3, s7;
	s7 =	simm.s32 @!p0 $0x108  }
0x21: {  	s3 =	sadd.s32 s3, s9;
	s6 =	sadd.s32 @!p0 $0x88, s6;
	s7 =	simm.s32 @p2 $0x1082  }
0x22: {  	[simem:s7], [sflag:s8] =	dma.local @!p0 [hbm:s6], $0xF7A  }
0x23: {  	s9 =	sor.u32 $0xD0000000, s2;
	s6 =	simm.s32 $0x108;
	_ =	swait.ge @!p0 [sflag:s8], $0x0  }
0x24: {  	s3 =	sadd.s32 $0x88, s3;
	s6 =	simm.s32 @!p1 $0x1082;
	[sflag:s4] =	ssyncset.s32 $0xFFFFF086  }
0x25: {  	[simem:s6], [sflag:s4] =	dma.local [hbm:s3], $0xF7A  }
0x26: {  	[smem:$0x3F9B] =	sst s1;
	(tag) =	ssettag s2;
	_ =	strace s9  }
0x27: {  	s1 =	sld [smem:$0x3FAB]  }
0x28: {  	s2 =	sld [smem:$0x3FAC]  }
0x29: {  	s4 =	sld [smem:$0x3FAE]  }
0x2a: {  	p0 =	seq.s32 s5, $0x0;
	s5 =	sld [smem:$0x3FAF]  }
0x2b: {  	s6 =	sld [smem:$0x3FB0]  }
0x2c: {  	s7 =	sld [smem:$0x3FB1]  }
0x2d: {  	s3 =	simm.s32 $0x108;
	s8 =	sld [smem:$0x3FB2]  }
0x2e: {  	s3 =	simm.s32 @!p0 $0x1082;
	s9 =	sld [smem:$0x3FB3]  }
0x2f: {  	lr =	sadd.s32 s0, s3;
	s0 =	sld [smem:$0x3FAA]  }
0x30: {  	s3 =	sld [smem:$0x3FAD]  }
0x31: {  	[smem:$0x3FB6] =	sst s10  }
0x32: {  	s10 =	sld [smem:$0x3FB4];
	_ =	sdelay $0x3  }
0x33: {  	p0 =	seq.s32 s10, $0x1;
	s10 =	sld [smem:$0x3FB6];
	_ =	sdelay $0x3  }
0x34: {  	[smem:$0x3FB6] =	sst s10  }
0x35: {  	s10 =	sld [smem:$0x3FB5];
	_ =	sdelay $0x3  }
0x36: {  	p1 =	seq.s32 s10, $0x1;
	s10 =	sld [smem:$0x3FB6];
	_ =	sdelay $0x3  }
0x37: {  	[smem:$0x3FB6] =	sst s10  }
0x38: {  	s10 =	sld [smem:$0x3FB7]  }
0x39: {  	_ = 	snop;
	(pc) =	sbr.ind lr, $3  }
0x3a: {  	_ = 	snop  }
0x3b: {  	_ = 	snop  }
0x3c: {  	p2 =	seq.s32 s10, $0x1;
	s10 =	sld [smem:$0x3FB6]  }
0x3d: {  	_ =	shalt  }
0x3e: {  	_ =	shalt  }
0x3f: {  	_ =	shalt  }
0x40: {  	_ =	shalt  }
0x41: {  	_ =	shalt  }
0x42: {  	_ =	shalt  }
0x43: {  	_ =	shalt  }
0x44: {  	_ =	shalt  }
0x45: {  	_ =	shalt  }
0x46: {  	_ =	shalt  }
0x47: {  	_ =	shalt  }
0x48: {  	_ =	shalt  }
0x49: {  	_ =	shalt  }
0x4a: {  	_ =	shalt  }
0x4b: {  	_ =	shalt  }
0x4c: {  	_ =	shalt  }
0x4d: {  	_ =	shalt  }
0x4e: {  	_ =	shalt  }
0x4f: {  	_ =	shalt  }
0x50: {  	_ =	shalt  }
0x51: {  	_ =	shalt  }
0x52: {  	_ =	shalt  }
0x53: {  	_ =	shalt  }
0x54: {  	_ =	shalt  }
0x55: {  	_ =	shalt  }
0x56: {  	_ =	shalt  }
0x57: {  	_ =	shalt  }
0x58: {  	_ =	shalt  }
0x59: {  	_ =	shalt  }
0x5a: {  	_ =	shalt  }
0x5b: {  	_ =	shalt  }
0x5c: {  	_ =	shalt  }
0x5d: {  	_ =	shalt  }
0x5e: {  	_ =	shalt  }
0x5f: {  	_ =	shalt  }
0x60: {  	_ =	shalt  }
0x61: {  	_ =	shalt  }
0x62: {  	_ =	shalt  }
0x63: {  	_ =	shalt  }
0x64: {  	_ =	shalt  }
0x65: {  	_ =	shalt  }
0x66: {  	_ =	shalt  }
0x67: {  	_ =	shalt  }
0x68: {  	_ =	shalt  }
0x69: {  	_ =	shalt  }
0x6a: {  	_ =	shalt  }
0x6b: {  	_ =	shalt  }
0x6c: {  	_ =	shalt  }
0x6d: {  	_ =	shalt  }
0x6e: {  	_ =	shalt  }
0x6f: {  	_ =	shalt  }
0x70: {  	_ =	shalt  }
0x71: {  	_ =	shalt  }
0x72: {  	_ =	shalt  }
0x73: {  	_ =	shalt  }
0x74: {  	_ =	shalt  }
0x75: {  	_ =	shalt  }
0x76: {  	_ =	shalt  }
0x77: {  	_ =	shalt  }
0x78: {  	_ =	shalt  }
0x79: {  	_ =	shalt  }
0x7a: {  	_ =	shalt  }
0x7b: {  	_ =	shalt  }
0x7c: {  	_ =	shalt  }
0x7d: {  	_ =	shalt  }
0x7e: {  	_ =	shalt  }
0x7f: {  	_ =	shalt  }
0x80: {  	_ =	shalt  }
0x81: {  	_ =	shalt  }
0x82: {  	_ =	shalt  }
0x83: {  	_ =	shalt  }
0x84: {  	_ =	shalt  }
0x85: {  	_ =	shalt  }
0x86: {  	_ =	shalt  }
0x87: {  	_ =	shalt  }
.Lfunc_end0:
.L_simem_size_0:
called_computation.1_lowered:
.L_overlay_start_0:
0x88: {  	s2 =	sld [smem:$0x3FD9]  }
0x89: {  	s3 =	sld [smem:$0x3FFE];
	_ =	sdelay $0x1  }
0x8a: {  	s1 =	srdreg.scid  }
0x8b: {  	s0 =	sand.u32 $0x1, s1  }
0x8c: {  	s17 =	sshll.u32 s0, $0xA;
	s2 =	sadd.s32 s3, s2  }
0x8d: {  	s2 =	sadd.s32 s2, s17  }
0x8e: {  	[smem:$0x3FC2] =	sst s2  }
0x8f: {  	_ = 	snop  }
0x90: {  	s2 =	sld [smem:$0x3FD0];
	(tm) =	ssettm $0x1  }
0x91: {  	s18 =	sld [smem:$0x3FFB];
	_ =	sdelay $0x3  }
0x92: {  	_ =	strace s18  }
0x93: {  	s3 =	sld [smem:$0x3FFC];
	_ =	sdelay $0x3  }
0x94: {  	_ =	strace s3  }
0x95: {  	s3 =	sld [smem:$0x3FFD];
	_ =	sdelay $0x3  }
0x96: {  	_ =	strace s3  }
0x97: {  	_ =	strace $0x8FFFFFFF  }
0x98: {  	s19 =	sld [smem:$0x3FDB];
	_ =	sdelay $0x1  }
0x99: {  	s4 =	simm.s32 $_scs_section_size  }
0x9a: {  	s5 =	simm.s32 $_size__tile_overlayer_lowered;
	s6 =	simm.s32 $_tile_overlayer_lowered  }
0x9b: {  	s22 =	simm.s32 $0x1BFF;
	s21 =	sshll.u32 s6, $0x1;
	s3 =	sadd.s32 s4, s19  }
0x9c: {  	s7 =	simm.s32 $0x0;
	s20 =	sshll.u32 s5, $0x1;
	s5 =	sadd.s32 s21, s3  }
0x9d: {  	[timem:s7], [sflag:s22] =	dma.local [hbm:s5], s20  }
0x9e: {  	_ =	swait.ge [sflag:s22], s20  }
0x9f: {  	s4 =	ssub.s32 $0x0, s20;
	[sflag:s22] =	ssyncset.done $0x0  }
0xa0: {  	[sflag:s22] =	ssyncadd.s32 s4;
	_ =	sdelay $0x1  }
0xa1: {  	s23 =	simm.s32 $0x1B8B  }
0xa2: {  	_ =	swait.ge [sflag:s23], $0x1  }
0xa3: {  	[sflag:s23] =	ssyncset.done $0x0  }
0xa4: {  	s25 =	simm.s32 $0x1B8E;
	s24 =	sld [smem:$0x3FFE];
	[sflag:s23] =	ssyncadd.s32 $0xFFFFFFFF  }
0xa5: {  	s26 =	simm.s32 $execute0_lowered;
	[smem:$0x3FD2] =	sst s25  }
0xa6: {  	s5 =	sshll.u32 s26, $0x1;
	_ =	strace $0x80000049;
	[dreg:$0x1] =	wrdreg $0xFFFFFFFF  }
0xa7: {  	s28 =	simm.s32 $_size_execute0_lowered;
	s3 =	sadd.s32 s3, s5;
	[dreg:$0x0] =	wrdreg $0x0  }
0xa8: {  	s5 =	sshll.u32 s28, $0x1;
	[dreg:$0x2] =	wrdreg s3  }
0xa9: {  	[dreg:$0x3] =	wrdreg s5  }
0xaa: {  	[dreg:$0x4] =	wrdreg $0xC0  }
0xab: {  	_ =	task [dreg:s7], $0x5FFFF  }
0xac: {  	[dreg:$0x1] =	wrdreg $0xFFFFFFFF  }
0xad: {  	[dreg:$0x0] =	wrdreg $0x60  }
0xae: {  	[dreg:$0x2] =	wrdreg s2  }
0xaf: {  	[dreg:$0x3] =	wrdreg s24  }
0xb0: {  	[dreg:$0x4] =	wrdreg $0x0  }
0xb1: {  	[dreg:$0x5] =	wrdreg $0x9  }
0xb2: {  	_ =	task.clear_ibuf [dreg:s7], $0x6FFFF;
	_ =	strace $0x90000049  }
0xb3: {  	s29 =	simm.s32 $0x9;
	_ =	strace $0x8000004B  }
0xb4: {  	_ =	swait.ge [sflag:s29], $0x1  }
0xb5: {  	[sflag:s29] =	ssyncadd.s32 $0xFFFFFFFF  }
0xb6: {  	_ =	strace $0x9000004B  }
0xb7: {  	_ =	sfence  }
0xb8: {  	s30 =	sld [smem:$0x0];
	_ =	sdelay $0x2  }
0xb9: {  	s31 =	sshll.u32 s1, $0xD;
	s1 =	sshrl.u32 s1, $0x2  }
0xba: {  	s3 =	sand.u32 $0x4000, s31;
	s1 =	sadd.s32 s1, s30  }
0xbb: {  	s0 =	sor.u32 s3, s0;
	s1 =	sshll.u32 s1, $0x11  }
0xbc: {  	s0 =	sor.u32 s1, s0  }
0xbd: {  	s0 =	sadd.s32 $0x8F2B, s0  }
0xbe: {  	[sflag:s0] =	ssyncadd.remote.s32 $0x1  }
0xbf: {  	_ =	sfence.sel $0xFFFF  }
0xc0: {  	[dreg:$0x0] =	wrdreg $0xFFFFFFFF;
	(pc) =	sbr.abs _section_cstart, $3  }
0xc1: {  	[dreg:$0x1] =	wrdreg $0xFFFFFFFF  }
0xc2: {  	_ =	task.clear_ibuf [dreg:s7], $0x2FFFF;
	_ =	strace $0x9FFFFFFF  }
0xc3: {  	(tm) =	ssettm $0x7FFFFFFF  }
tec
execute0_lowered:
.L_overlay_start_1:
0x0: {  	(tag) =	ssettag $0x1  }
0x1: {  	s0 =	srdreg.scid;
	s1 =	rddreg [dreg:$0x0]  }
0x2: {  	s2 =	rddreg [dreg:$0x1];
	s13 =	stileid.u32  }
0x3: {  	s3 =	rddreg [dreg:$0x2];
	s20 =	simm.s32 $0x0;
	s14 =	simm.s32 $0x4  }
0x4: {  	s28 =	simm.s32 $0x19D80;
	s29 =	simm.s32 $0x1;
	s30 =	simm.s32 $0x1CD80  }
0x5: {  	s31 =	simm.s32 $0x2;
	s0 =	sand.u32 $0x1, s0;
	s8 =	smul.u32 $0x50000, s13  }
0x6: {  	[smem:$0x7FF] =	sst s20;
	s12 =	smul.u32 $0x2800, s13;
	s24 =	sadd.s32 $0x12C000, s3  }
0x7: {  	s23 =	sshll.u32 s13, $0x6;
	s4 =	sshll.u32 s0, $0x4;
	s10 =	smul.u32 $0x27100, s0  }
0x8: {  	s9 =	ssub.s32 $0x2, s0;
	s0 =	smul.u32 $0x138800, s0;
	s5 =	sor.u32 s13, s4  }
0x9: {  	p0 =	seq.s32 s13, $0xF;
	_ =	strace $0x8000004A;
	s6 =	smul.u32 $0x4F8, s5  }
0xa: {  	s11 =	sshrl.u32 s9, $0x1;
	s8 =	sshrl.u32 s8, $0x2;
	s5 =	smul.u32 $0x700, s5  }
0xb: {  	s11 =	ssub.s32 s9, s11;
	s22 =	sadd.s32 s12, s10;
	s8 =	sadd.s32 s8, s3  }
0xc: {  	s0 =	sshrl.u32 s0, $0x3;
	s12 =	sor.u32 $0x1C04, s23;
	s23 =	simm.s32 $0x3  }
0xd: {  	s11 =	smax.u32 s11, $0x1;
	s25 =	sadd.s32 $0x2800, s8;
	s26 =	sadd.s32 $0x5000, s8  }
0xe: {  	s17 =	sadd.s32 $0x7800, s8;
	s18 =	sadd.s32 $0xA000, s8;
	s19 =	sadd.s32 $0xC800, s8  }
0xf: {  	s20 =	sadd.s32 $0xF000, s8;
	s13 =	sshrl.u32 s8, $0x3;
	s6 =	sadd.s32 s6, s2  }
0x10: {  	s7 =	sadd.s32 s5, s2;
	s5 =	sadd.s32 $0x1A000, s2;
	s2 =	sadd.s32 $0x1AA00, s2  }
0x11: {  	s15 =	sshrl.u32 s25, $0x3;
	s16 =	sshrl.u32 s26, $0x3;
	s17 =	sshrl.u32 s17, $0x3  }
0x12: {  	s18 =	sshrl.u32 s18, $0x3;
	s19 =	sshrl.u32 s19, $0x3;
	s20 =	sshrl.u32 s20, $0x3  }
0x13: {  	s25 =	sshrl.u32 @p0 s24, $0x3;
	s26 =	simm.s32 $0x60;
	s21 =	sadd.s32 $0x2000, s6  }
0x14: {  	s7 =	sadd.s32 $0xC000, s7;
	s9 =	sadd.s32 s2, s22;
	s0 =	sadd.s32 s2, s0  }
0x15: {  	s22 =	simm.s32 $0x13D80;
	[dreg:$0x4] =	wrdreg s21;
	s21 =	sadd.s32 $0x11800, s8  }
0x16: {  	s2 =	simm.s32 $0x0;
	s10 =	sadd.s32 $0x25800, s0;
	s21 =	sshrl.u32 @!p0 s21, $0x3  }
.LBB2_1:
0x17: {  	[spmem:s13], [sflag:s12] =	dma.local [hbm:s5], $0x500  }
0x18: {  	_ =	swait.ge [sflag:s14], $0x500  }
0x19: {  	[sflag:s14] =	ssyncset.done $0x0  }
0x1a: {  	[sflag:s14] =	ssyncadd.s32 $0xFFFFFB00  }
0x1b: {  	[spmem:s15], [sflag:s12] =	dma.local [hbm:s5], $0x500  }
0x1c: {  	_ =	swait.ge [sflag:s14], $0x500  }
0x1d: {  	[sflag:s14] =	ssyncset.done $0x0  }
0x1e: {  	[sflag:s14] =	ssyncadd.s32 $0xFFFFFB00  }
0x1f: {  	[spmem:s16], [sflag:s12] =	dma.local [hbm:s5], $0x500  }
0x20: {  	_ =	swait.ge [sflag:s14], $0x500  }
0x21: {  	[sflag:s14] =	ssyncset.done $0x0  }
0x22: {  	[sflag:s14] =	ssyncadd.s32 $0xFFFFFB00  }
0x23: {  	[spmem:s17], [sflag:s12] =	dma.local [hbm:s5], $0x500  }
0x24: {  	_ =	swait.ge [sflag:s14], $0x500  }
0x25: {  	[sflag:s14] =	ssyncset.done $0x0  }
0x26: {  	[sflag:s14] =	ssyncadd.s32 $0xFFFFFB00  }
0x27: {  	[spmem:s18], [sflag:s12] =	dma.local [hbm:s5], $0x500  }
0x28: {  	_ =	swait.ge [sflag:s14], $0x500  }
0x29: {  	[sflag:s14] =	ssyncset.done $0x0  }
0x2a: {  	[sflag:s14] =	ssyncadd.s32 $0xFFFFFB00  }
0x2b: {  	[spmem:s19], [sflag:s12] =	dma.local [hbm:s5], $0x500  }
0x2c: {  	_ =	swait.ge [sflag:s14], $0x500  }
0x2d: {  	[sflag:s14] =	ssyncset.done $0x0  }
0x2e: {  	[sflag:s14] =	ssyncadd.s32 $0xFFFFFB00  }
0x2f: {  	[spmem:s20], [sflag:s12] =	dma.local [hbm:s5], $0x500  }
0x30: {  	_ =	swait.ge [sflag:s14], $0x500  }
0x31: {  	[sflag:s14] =	ssyncset.done $0x0  }
0x32: {  	s0 =	simm.s32 @!p0 $0x4;
	[sflag:s14] =	ssyncadd.s32 $0xFFFFFB00  }
0x33: {  	[spmem:s21], [sflag:s12] =	dma.local @!p0 [hbm:s5], $0x500  }
0x34: {  	_ =	swait.ge @!p0 [sflag:s0], $0x500  }
0x35: {  	[sflag:s0] =	ssyncset.done @!p0 $0x0  }
0x36: {  	s6 =	simm.s32 $0x0;
	s4 =	rddreg [dreg:$0x4];
	[sflag:s0] =	ssyncadd.s32 @!p0 $0xFFFFFB00  }
0x37: {  	[tilespmem:s22], [sflag:$0x3] =	stream.linear.gather [hbm4b:s4+s6], $0x27C0, $0x38;
	[tilespmem:$0x1FD80] =	vst v63  }
0x38: {  	_ =	swait.ge [sflag:s23], $0x27C0  }
0x39: {  	[sflag:s23] =	ssyncset.done $0x0  }
0x3a: {  	s24 =	simm.s32 $0x16580;
	[sflag:s23] =	ssyncadd.s32 $0xFFFFD840  }
0x3b: {  	[tilespmem:s24], [sflag:$0x3] =	stream.linear.gather [hbm4b:s7+s6], $0x3500, $0x38;
	[tilespmem:$0x1FD80] =	vst v63  }
0x3c: {  	_ =	swait.ge [sflag:s23], $0x3500  }
0x3d: {  	[sflag:s23] =	ssyncset.done $0x0  }
0x3e: {  	[sflag:s23] =	ssyncadd.s32 $0xFFFFCB00  }
0x3f: {  	[bflag:$0x0] =	sbarrier.arrive $0xFFFF  }
0x40: {  	[tilespmem:s28], [sflag:$0x1] =	stream.indirect.gather [hbm4b:s1+s26], $0x80, s22, s26, $0xb8;
	[tilespmem:$0x1FD80] =	vst v63  }
0x41: {  	_ =	swait.ge [sflag:s29], $0x3000  }
0x42: {  	[sflag:s29] =	ssyncset.done $0x0  }
0x43: {  	s0 =	simm.s32 $0x13DE0;
	[sflag:s29] =	ssyncadd.s32 $0xFFFFD000  }
0x44: {  	[tilespmem:s30], [sflag:$0x2] =	stream.indirect.gather [hbm4b:s1+s26], $0x80, s0, s26, $0xb8;
	[tilespmem:$0x1FD80] =	vst v63  }
0x45: {  	s24 =	simm.s32 $0x16580  }
0x46: {  	[spmem:s3] =	stream.indirect.scatter.add.f32 [tilespmem:s28], [sflag:$0x4], $0x80, s24, s26, $0xb8;
	[tilespmem:$0x1FD80] =	vst v63  }
0x47: {  	_ =	swait.ge [sflag:s14], $0x3000  }
0x48: {  	[sflag:s14] =	ssyncset.done $0x0  }
0x49: {  	s4 =	simm.s32 $0x13E40;
	[sflag:s14] =	ssyncadd.s32 $0xFFFFD000  }
0x4a: {  	[tilespmem:s28], [sflag:$0x1] =	stream.indirect.gather [hbm4b:s1+s26], $0x80, s4, s26, $0xb8;
	[tilespmem:$0x1FD80] =	vst v63  }
0x4b: {  	_ =	swait.ge [sflag:s31], $0x3000  }
0x4c: {  	[sflag:s31] =	ssyncset.done $0x0  }
0x4d: {  	s6 =	simm.s32 $0x16600;
	[sflag:s31] =	ssyncadd.s32 $0xFFFFD000  }
0x4e: {  	[spmem:s3] =	stream.indirect.scatter.add.f32 [tilespmem:s30], [sflag:$0x4], $0x80, s6, s26, $0xb8;
	[tilespmem:$0x1FD80] =	vst v63  }
0x4f: {  	_ =	swait.ge [sflag:s14], $0x3000  }
0x50: {  	s24 =	simm.s32 $0x400;
	[sflag:s14] =	ssyncset.done $0x0  }
.LBB2_2:
0x51: {  	p1 =	sne.s32 s24, $0xCC00;
	[sflag:s14] =	ssyncadd.s32 $0xFFFFD000;
	s0 =	sadd.s32 $0xC0, s0  }
0x52: {  	s4 =	smov.u32 s24;
	s24 =	sadd.s32 $0x400, s24;
	_ =	swait.ge [sflag:s29], $0x3000  }
0x53: {  	[sflag:s29] =	ssyncset.done $0x0  }
0x54: {  	s4 =	sshra.s32 s4, $0x2;
	[sflag:s29] =	ssyncadd.s32 $0xFFFFD000  }
0x55: {  	[tilespmem:s30], [sflag:$0x2] =	stream.indirect.gather [hbm4b:s1+s26], $0x80, s0, s26, $0xb8;
	[tilespmem:$0x1FD80] =	vst v63  }
0x56: {  	s6 =	sadd.s32 $0x16580, s4  }
0x57: {  	[spmem:s3] =	stream.indirect.scatter.add.f32 [tilespmem:s28], [sflag:$0x4], $0x80, s6, s26, $0xb8;
	[tilespmem:$0x1FD80] =	vst v63  }
0x58: {  	_ =	swait.ge [sflag:s14], $0x3000  }
0x59: {  	[sflag:s14] =	ssyncset.done $0x0  }
0x5a: {  	s6 =	sadd.s32 $0x60, s0;
	[sflag:s14] =	ssyncadd.s32 $0xFFFFD000  }
0x5b: {  	[tilespmem:s28], [sflag:$0x1] =	stream.indirect.gather [hbm4b:s1+s26], $0x80, s6, s26, $0xb8;
	[tilespmem:$0x1FD80] =	vst v63  }
0x5c: {  	_ =	swait.ge [sflag:s31], $0x3000  }
.Ltmp0:
0x5d: {  	[sflag:s31] =	ssyncset.done $0x0;
	(pc) =	sbr.rel @p1 .LBB2_2-.Ltmp0, $4  }
0x5e: {  	s4 =	sadd.s32 $0x16600, s4;
	[sflag:s31] =	ssyncadd.s32 $0xFFFFD000  }
0x5f: {  	[spmem:s3] =	stream.indirect.scatter.add.f32 [tilespmem:s30], [sflag:$0x4], $0x80, s4, s26, $0xb8;
	[tilespmem:$0x1FD80] =	vst v63  }
0x60: {  	_ =	swait.ge [sflag:s14], $0x3000  }
0x61: {  	[sflag:s14] =	ssyncset.done $0x0  }
0x62: {  	[sflag:s14] =	ssyncadd.s32 $0xFFFFD000  }
0x63: {  	_ =	swait.ge [sflag:s29], $0x3000  }
0x64: {  	[sflag:s29] =	ssyncset.done $0x0  }
0x65: {  	s0 =	simm.s32 $0x164E0;
	[sflag:s29] =	ssyncadd.s32 $0xFFFFD000  }
0x66: {  	[tilespmem:s30], [sflag:$0x2] =	stream.indirect.gather [hbm4b:s1+s26], $0x80, s0, s26, $0xb8;
	[tilespmem:$0x1FD80] =	vst v63  }
0x67: {  	s6 =	simm.s32 $0x19980  }
0x68: {  	[spmem:s3] =	stream.indirect.scatter.add.f32 [tilespmem:s28], [sflag:$0x4], $0x80, s6, s26, $0xb8;
	[tilespmem:$0x1FD80] =	vst v63  }
0x69: {  	_ =	swait.ge [sflag:s14], $0x3000  }
0x6a: {  	[sflag:s14] =	ssyncset.done $0x0  }
0x6b: {  	[sflag:s14] =	ssyncadd.s32 $0xFFFFD000  }
0x6c: {  	_ =	swait.ge [sflag:s31], $0x3000  }
0x6d: {  	[sflag:s31] =	ssyncset.done $0x0  }
0x6e: {  	s24 =	simm.s32 $0x19A00;
	[sflag:s31] =	ssyncadd.s32 $0xFFFFD000  }
0x6f: {  	[spmem:s3] =	stream.indirect.scatter.add.f32 [tilespmem:s30], [sflag:$0x4], $0x80, s24, s26, $0xb8;
	[tilespmem:$0x1FD80] =	vst v63  }
0x70: {  	_ =	swait.ge [sflag:s14], $0x3000  }
0x71: {  	[sflag:s14] =	ssyncset.done $0x0  }
0x72: {  	[sflag:s14] =	ssyncadd.s32 $0xFFFFD000  }
0x73: {  	s0 =	simm.s32 @p0 $0x1FC4;
	[bflag:$0x0] =	sbarrier.arrive $0xFFFF  }
0x74: {  	[hbm:s10], [sflag:s0] =	dma.local @p0 [spmem:s25], $0x1900  }
0x75: {  	s0 =	simm.s32 @p0 $0x4  }
0x76: {  	_ =	swait.ge @p0 [sflag:s0], $0x1900  }
0x77: {  	s2 =	sadd.s32 $0x1, s2;
	[sflag:s0] =	ssyncset.done @p0 $0x0  }
0x78: {  	p1 =	sne.s32 s2, s11;
	[sflag:s0] =	ssyncadd.s32 @p0 $0xFFFFE700;
	s0 =	sshrl.u32 @!p0 s8, $0x3  }
0x79: {  	[hbm:s9], [sflag:s12] =	dma.local @!p0 [spmem:s0], $0x2800  }
.Ltmp1:
0x7a: {  	_ = 	snop;
	(pc) =	sbr.rel @p1 .LBB2_1-.Ltmp1, $4  }
0x7b: {  	s0 =	simm.s32 @!p0 $0x4  }
0x7c: {  	_ =	swait.ge @!p0 [sflag:s0], $0x2800  }
0x7d: {  	[sflag:s0] =	ssyncset.done @!p0 $0x0  }
0x7e: {  	[sflag:s0] =	ssyncadd.s32 @!p0 $0xFFFFD800  }
0x7f: {  	_ =	sfence.sel $0x180000  }
0x80: {  	[bflag:$0x0] =	sbarrier.arrive $0xFFFF  }
0x81: {  	_ =	strace $0x9000004A  }
0x82: {  	s0 =	stileid.u32;
	[bflag:$0x2] =	sbarrier.arrive $0xFFFF  }
0x83: {  	p0 =	sne.s32 s0, $0x0;
	s0 =	rddreg [dreg:$0x3]  }
0x84: {  	s0 =	sadd.s32 @!p0 $0x100000, s0  }
0x85: {  	[sflag:s0] =	ssyncadd.tile.s32 @!p0 $0x1;
	_ =	shalt  }
.Lfunc_end2:
_tile_overlayer_lowered:
.L_overlay_start_2:
0x86: {  	(tag) =	ssettag $0x2  }
0x87: {  	s0 =	rddreg [dreg:$0x0];
	s2 =	stileid.u32  }
0x88: {  	s1 =	rddreg [dreg:$0x1];
	p0 =	sne.s32 s2, $0x0  }
0x89: {  	s3 =	rddreg [dreg:$0x2];
	[bflag:$0x3] =	sbarrier.arrive $0xFFFF;
	s2 =	simm.s32 @!p0 $0x1C04  }
0x8a: {  	[timem:s3], [sflag:s2] =	dma.local @!p0 [hbm:s0], s1  }
0x8b: {  	s0 =	simm.s32 @!p0 $0x4  }
0x8c: {  	_ =	swait.ge @!p0 [sflag:s0], s1  }
0x8d: {  	s1 =	ssub.s32 @!p0 $0x0, s1;
	[sflag:s0] =	ssyncset.done @!p0 $0x0  }
0x8e: {  	[sflag:s0] =	ssyncadd.s32 @!p0 s1  }
0x8f: {  	[bflag:$0x3] =	sbarrier.arrive $0xFFFF  }
0x90: {  	_ =	shalt  }

// kernel: kernel.7.cloned.1.call-start
scs
__scs_entry_jumppad:
0x0: {  	(pc) =	sbr.rel $0x88, $3  }
0x1: {  	(tag) =	ssettag $0x0;
	lr =	simm.s32 $0x1  }
0x2: {  	[smem:$0x3F9B] =	sst lr;
	_ =	strace $0xD0000000  }
0x3: {  	_ = 	snop  }
0x4: {  	_ = 	snop  }
0x5: {  	_ = 	snop  }
0x6: {  	_ = 	snop  }
0x7: {  	_ = 	snop  }
__scs_overlays_trampoline_lowered:
0x8: {  	[smem:$0x3FAA] =	sst s0  }
0x9: {  	[smem:$0x3FAB] =	sst s1  }
0xa: {  	[smem:$0x3FAC] =	sst s2  }
0xb: {  	[smem:$0x3FAD] =	sst s3  }
0xc: {  	[smem:$0x3FAE] =	sst s4  }
0xd: {  	[smem:$0x3FAF] =	sst s5  }
0xe: {  	[smem:$0x3FB0] =	sst s6  }
0xf: {  	[smem:$0x3FB1] =	sst s7  }
0x10: {  	[smem:$0x3FB2] =	sst s8  }
0x11: {  	[smem:$0x3FB3] =	sst s9;
	s0 =	simm.s32 @!p0 $0x0  }
0x12: {  	s1 =	sld [smem:$0x3F99];
	s0 =	simm.s32 @p0 $0x1  }
0x13: {  	[smem:$0x3FB4] =	sst s0;
	s0 =	simm.s32 @!p1 $0x0  }
0x14: {  	s2 =	sld [smem:$0x3F98];
	s0 =	simm.s32 @p1 $0x1  }
0x15: {  	[smem:$0x3FB5] =	sst s0;
	s0 =	simm.s32 @!p2 $0x0  }
0x16: {  	s3 =	sld [smem:$0x3FDB];
	s0 =	simm.s32 @p2 $0x1  }
0x17: {  	s4 =	simm.s32 $0x1BF5;
	[smem:$0x3FB7] =	sst s0  }
0x18: {  	s0 =	sld [smem:$0x3F9A];
	_ =	swait.ge [sflag:s4], $0x0  }
0x19: {  	s7 =	sld [smem:$0x3F9B]  }
0x1a: {  	s8 =	sadd.s32 $0xFFFFE003, lr  }
0x1b: {  	s9 =	sadd.s32 $0xFFFFFEF7, lr;
	s5 =	simm.s32 $0xFFFFFFFF;
	p2 =	slt.u32 s8, $0xFFFFF086  }
0x1c: {  	p1 =	slt.u32 s9, $0xF7A;
	s5 =	simm.s32 @!p2 $0x0  }
0x1d: {  	s5 =	simm.s32 @p1 $0x1;
	p0 =	seq.s32 s7, s2  }
0x1e: {  	s7 =	smul.u32 @!p0 $0xF7A, s2;
	p2 =	seq.s32 @!p0 s5, $0x0  }
0x1f: {  	s9 =	smul.u32 $0xF7A, s1;
	s8 =	simm.s32 @!p0 $0x1BF5;
	p2 =	por !p2, p0  }
0x20: {  	[sflag:s8] =	ssyncset.s32 @!p0 $0xFFFFF086;
	s6 =	sadd.s32 @!p0 s3, s7;
	s7 =	simm.s32 @!p0 $0x108  }
0x21: {  	s3 =	sadd.s32 s3, s9;
	s6 =	sadd.s32 @!p0 $0x88, s6;
	s7 =	simm.s32 @p2 $0x1082  }
0x22: {  	[simem:s7], [sflag:s8] =	dma.local @!p0 [hbm:s6], $0xF7A  }
0x23: {  	s9 =	sor.u32 $0xD0000000, s2;
	s6 =	simm.s32 $0x108;
	_ =	swait.ge @!p0 [sflag:s8], $0x0  }
0x24: {  	s3 =	sadd.s32 $0x88, s3;
	s6 =	simm.s32 @!p1 $0x1082;
	[sflag:s4] =	ssyncset.s32 $0xFFFFF086  }
0x25: {  	[simem:s6], [sflag:s4] =	dma.local [hbm:s3], $0xF7A  }
0x26: {  	[smem:$0x3F9B] =	sst s1;
	(tag) =	ssettag s2;
	_ =	strace s9  }
0x27: {  	s1 =	sld [smem:$0x3FAB]  }
0x28: {  	s2 =	sld [smem:$0x3FAC]  }
0x29: {  	s4 =	sld [smem:$0x3FAE]  }
0x2a: {  	p0 =	seq.s32 s5, $0x0;
	s5 =	sld [smem:$0x3FAF]  }
0x2b: {  	s6 =	sld [smem:$0x3FB0]  }
0x2c: {  	s7 =	sld [smem:$0x3FB1]  }
0x2d: {  	s3 =	simm.s32 $0x108;
	s8 =	sld [smem:$0x3FB2]  }
0x2e: {  	s3 =	simm.s32 @!p0 $0x1082;
	s9 =	sld [smem:$0x3FB3]  }
0x2f: {  	lr =	sadd.s32 s0, s3;
	s0 =	sld [smem:$0x3FAA]  }
0x30: {  	s3 =	sld [smem:$0x3FAD]  }
0x31: {  	[smem:$0x3FB6] =	sst s10  }
0x32: {  	s10 =	sld [smem:$0x3FB4];
	_ =	sdelay $0x3  }
0x33: {  	p0 =	seq.s32 s10, $0x1;
	s10 =	sld [smem:$0x3FB6];
	_ =	sdelay $0x3  }
0x34: {  	[smem:$0x3FB6] =	sst s10  }
0x35: {  	s10 =	sld [smem:$0x3FB5];
	_ =	sdelay $0x3  }
0x36: {  	p1 =	seq.s32 s10, $0x1;
	s10 =	sld [smem:$0x3FB6];
	_ =	sdelay $0x3  }
0x37: {  	[smem:$0x3FB6] =	sst s10  }
0x38: {  	s10 =	sld [smem:$0x3FB7]  }
0x39: {  	_ = 	snop;
	(pc) =	sbr.ind lr, $3  }
0x3a: {  	_ = 	snop  }
0x3b: {  	_ = 	snop  }
0x3c: {  	p2 =	seq.s32 s10, $0x1;
	s10 =	sld [smem:$0x3FB6]  }
0x3d: {  	_ =	shalt  }
0x3e: {  	_ =	shalt  }
0x3f: {  	_ =	shalt  }
0x40: {  	_ =	shalt  }
0x41: {  	_ =	shalt  }
0x42: {  	_ =	shalt  }
0x43: {  	_ =	shalt  }
0x44: {  	_ =	shalt  }
0x45: {  	_ =	shalt  }
0x46: {  	_ =	shalt  }
0x47: {  	_ =	shalt  }
0x48: {  	_ =	shalt  }
0x49: {  	_ =	shalt  }
0x4a: {  	_ =	shalt  }
0x4b: {  	_ =	shalt  }
0x4c: {  	_ =	shalt  }
0x4d: {  	_ =	shalt  }
0x4e: {  	_ =	shalt  }
0x4f: {  	_ =	shalt  }
0x50: {  	_ =	shalt  }
0x51: {  	_ =	shalt  }
0x52: {  	_ =	shalt  }
0x53: {  	_ =	shalt  }
0x54: {  	_ =	shalt  }
0x55: {  	_ =	shalt  }
0x56: {  	_ =	shalt  }
0x57: {  	_ =	shalt  }
0x58: {  	_ =	shalt  }
0x59: {  	_ =	shalt  }
0x5a: {  	_ =	shalt  }
0x5b: {  	_ =	shalt  }
0x5c: {  	_ =	shalt  }
0x5d: {  	_ =	shalt  }
0x5e: {  	_ =	shalt  }
0x5f: {  	_ =	shalt  }
0x60: {  	_ =	shalt  }
0x61: {  	_ =	shalt  }
0x62: {  	_ =	shalt  }
0x63: {  	_ =	shalt  }
0x64: {  	_ =	shalt  }
0x65: {  	_ =	shalt  }
0x66: {  	_ =	shalt  }
0x67: {  	_ =	shalt  }
0x68: {  	_ =	shalt  }
0x69: {  	_ =	shalt  }
0x6a: {  	_ =	shalt  }
0x6b: {  	_ =	shalt  }
0x6c: {  	_ =	shalt  }
0x6d: {  	_ =	shalt  }
0x6e: {  	_ =	shalt  }
0x6f: {  	_ =	shalt  }
0x70: {  	_ =	shalt  }
0x71: {  	_ =	shalt  }
0x72: {  	_ =	shalt  }
0x73: {  	_ =	shalt  }
0x74: {  	_ =	shalt  }
0x75: {  	_ =	shalt  }
0x76: {  	_ =	shalt  }
0x77: {  	_ =	shalt  }
0x78: {  	_ =	shalt  }
0x79: {  	_ =	shalt  }
0x7a: {  	_ =	shalt  }
0x7b: {  	_ =	shalt  }
0x7c: {  	_ =	shalt  }
0x7d: {  	_ =	shalt  }
0x7e: {  	_ =	shalt  }
0x7f: {  	_ =	shalt  }
0x80: {  	_ =	shalt  }
0x81: {  	_ =	shalt  }
0x82: {  	_ =	shalt  }
0x83: {  	_ =	shalt  }
0x84: {  	_ =	shalt  }
0x85: {  	_ =	shalt  }
0x86: {  	_ =	shalt  }
0x87: {  	_ =	shalt  }
.Lfunc_end0:
.L_simem_size_0:
called_computation_lowered:
.L_overlay_start_0:
0x88: {  	s2 =	sld [smem:$0x3FD9]  }
0x89: {  	s3 =	sld [smem:$0x3FFE];
	_ =	sdelay $0x1  }
0x8a: {  	s1 =	srdreg.scid  }
0x8b: {  	s0 =	sand.u32 $0x1, s1  }
0x8c: {  	s17 =	sshll.u32 s0, $0xA;
	s2 =	sadd.s32 s3, s2  }
0x8d: {  	s2 =	sadd.s32 s2, s17  }
0x8e: {  	[smem:$0x3FC2] =	sst s2  }
0x8f: {  	_ = 	snop  }
0x90: {  	s2 =	sld [smem:$0x3FD0];
	(tm) =	ssettm $0x1  }
0x91: {  	s18 =	sld [smem:$0x3FFB];
	_ =	sdelay $0x3  }
0x92: {  	_ =	strace s18  }
0x93: {  	s3 =	sld [smem:$0x3FFC];
	_ =	sdelay $0x3  }
0x94: {  	_ =	strace s3  }
0x95: {  	s3 =	sld [smem:$0x3FFD];
	_ =	sdelay $0x3  }
0x96: {  	_ =	strace s3  }
0x97: {  	_ =	strace $0x8FFFFFFF  }
0x98: {  	s19 =	sld [smem:$0x3FDB];
	_ =	sdelay $0x1  }
0x99: {  	s4 =	simm.s32 $_scs_section_size  }
0x9a: {  	s5 =	simm.s32 $_size__tile_overlayer_lowered;
	s6 =	simm.s32 $_tile_overlayer_lowered  }
0x9b: {  	s22 =	simm.s32 $0x1BFF;
	s21 =	sshll.u32 s6, $0x1;
	s3 =	sadd.s32 s4, s19  }
0x9c: {  	s7 =	simm.s32 $0x0;
	s20 =	sshll.u32 s5, $0x1;
	s5 =	sadd.s32 s21, s3  }
0x9d: {  	[timem:s7], [sflag:s22] =	dma.local [hbm:s5], s20  }
0x9e: {  	_ =	swait.ge [sflag:s22], s20  }
0x9f: {  	s4 =	ssub.s32 $0x0, s20;
	[sflag:s22] =	ssyncset.done $0x0  }
0xa0: {  	[sflag:s22] =	ssyncadd.s32 s4;
	_ =	sdelay $0x1  }
0xa1: {  	s23 =	simm.s32 $0x1B8B  }
0xa2: {  	_ =	swait.ge [sflag:s23], $0x1  }
0xa3: {  	[sflag:s23] =	ssyncset.done $0x0  }
0xa4: {  	s25 =	simm.s32 $0x1B8E;
	s24 =	sld [smem:$0x3FFE];
	[sflag:s23] =	ssyncadd.s32 $0xFFFFFFFF  }
0xa5: {  	s26 =	simm.s32 $execute0_lowered;
	[smem:$0x3FD2] =	sst s25  }
0xa6: {  	s5 =	sshll.u32 s26, $0x1;
	_ =	strace $0x80000046;
	[dreg:$0x1] =	wrdreg $0xFFFFFFFF  }
0xa7: {  	s28 =	simm.s32 $_size_execute0_lowered;
	s3 =	sadd.s32 s3, s5;
	[dreg:$0x0] =	wrdreg $0x0  }
0xa8: {  	s5 =	sshll.u32 s28, $0x1;
	[dreg:$0x2] =	wrdreg s3  }
0xa9: {  	[dreg:$0x3] =	wrdreg s5  }
0xaa: {  	[dreg:$0x4] =	wrdreg $0xC0  }
0xab: {  	_ =	task [dreg:s7], $0x5FFFF  }
0xac: {  	[dreg:$0x1] =	wrdreg $0xFFFFFFFF  }
0xad: {  	[dreg:$0x0] =	wrdreg $0x60  }
0xae: {  	[dreg:$0x2] =	wrdreg s24  }
0xaf: {  	[dreg:$0x3] =	wrdreg s2  }
0xb0: {  	[dreg:$0x4] =	wrdreg $0x0  }
0xb1: {  	[dreg:$0x5] =	wrdreg $0x9  }
0xb2: {  	_ =	task.clear_ibuf [dreg:s7], $0x6FFFF;
	_ =	strace $0x90000046  }
0xb3: {  	s29 =	simm.s32 $0x9;
	_ =	strace $0x80000048  }
0xb4: {  	_ =	swait.ge [sflag:s29], $0x1  }
0xb5: {  	[sflag:s29] =	ssyncadd.s32 $0xFFFFFFFF  }
0xb6: {  	_ =	strace $0x90000048  }
0xb7: {  	_ =	sfence  }
0xb8: {  	s30 =	sld [smem:$0x0];
	_ =	sdelay $0x2  }
0xb9: {  	s31 =	sshll.u32 s1, $0xD;
	s1 =	sshrl.u32 s1, $0x2  }
0xba: {  	s3 =	sand.u32 $0x4000, s31;
	s1 =	sadd.s32 s1, s30  }
0xbb: {  	s0 =	sor.u32 s3, s0;
	s1 =	sshll.u32 s1, $0x11  }
0xbc: {  	s0 =	sor.u32 s1, s0  }
0xbd: {  	s0 =	sadd.s32 $0x8F2B, s0  }
0xbe: {  	[sflag:s0] =	ssyncadd.remote.s32 $0x1  }
0xbf: {  	_ =	sfence.sel $0xFFFF  }
0xc0: {  	[dreg:$0x0] =	wrdreg $0xFFFFFFFF;
	(pc) =	sbr.abs _section_cstart, $3  }
0xc1: {  	[dreg:$0x1] =	wrdreg $0xFFFFFFFF  }
0xc2: {  	_ =	task.clear_ibuf [dreg:s7], $0x2FFFF;
	_ =	strace $0x9FFFFFFF  }
0xc3: {  	(tm) =	ssettm $0x7FFFFFFF  }
tec
execute0_lowered:
.L_overlay_start_1:
0x0: {  	(tag) =	ssettag $0x1  }
0x1: {  	s3 =	rddreg [dreg:$0x0]  }
0x2: {  	s0 =	srdreg.scid;
	s6 =	rddreg [dreg:$0x1]  }
0x3: {  	s13 =	stileid.u32;
	s1 =	rddreg [dreg:$0x2];
	s2 =	simm.s32 $0x0  }
0x4: {  	s11 =	simm.s32 $0x1;
	s4 =	sand.u32 $0x1, s0;
	s0 =	rddreg [dreg:$0x3]  }
0x5: {  	s12 =	simm.s32 $0x60;
	s15 =	simm.s32 $0x0;
	[smem:$0x7FF] =	sst s2  }
0x6: {  	s8 =	smul.u32 $0x280, s13;
	s31 =	sshll.u32 s13, $0x6;
	p0 =	sne.s32 s13, $0x0  }
0x7: {  	s7 =	sshll.u32 s4, $0x4;
	_ =	strace $0x80000047;
	s4 =	ssub.s32 $0x2, s4  }
0x8: {  	s14 =	sshrl.u32 @!p0 s1, $0x3;
	s5 =	sor.u32 s13, s7;
	s9 =	sshrl.u32 s8, $0x3  }
0x9: {  	s10 =	sshrl.u32 s4, $0x1;
	s8 =	sadd.s32 s8, s1;
	s6 =	sadd.s32 s6, s7  }
0xa: {  	s13 =	simm.s32 $0x3A80;
	s5 =	smul.u32 $0x700, s5;
	s30 =	ssub.s32 s4, s10  }
0xb: {  	s4 =	sor.u32 $0x1C02, s31;
	s8 =	sshrl.u32 s8, $0x3;
	s10 =	simm.s32 $0x280  }
0xc: {  	s7 =	smax.u32 s30, $0x1;
	s5 =	sadd.s32 s5, s3;
	s3 =	sadd.s32 s9, s3  }
0xd: {  	v0 =	vimm.f32 $1.000000000e+00;
	s9 =	simm.s32 $0x2;
	s3 =	sadd.s32 $0x1A000, s3;
	s5 =	sadd.s32 $0xC000, s5  }
.LBB2_1:
0xe: {  	[spmem:s8], [sflag:s4] =	dma.local [hbm:s3], $0x50  }
0xf: {  	_ =	swait.ge [sflag:s9], $0x50  }
0x10: {  	[sflag:s9] =	ssyncset.done $0x0  }
0x11: {  	[sflag:s9] =	ssyncadd.s32 $0xFFFFFFB0  }
0x12: {  	[tilespmem:$0x3A80] =	vst v0  }
0x13: {  	[tilespmem:$0x3A90] =	vst v0  }
0x14: {  	[tilespmem:$0x3AA0] =	vst v0  }
0x15: {  	[tilespmem:$0x3AB0] =	vst v0  }
0x16: {  	[tilespmem:$0x3AC0] =	vst v0  }
0x17: {  	[tilespmem:$0x3AD0] =	vst v0  }
0x18: {  	[tilespmem:$0x3AE0] =	vst v0  }
0x19: {  	[tilespmem:$0x3AF0] =	vst v0  }
0x1a: {  	[tilespmem:s10], [sflag:$0x1] =	stream.linear.gather [hbm4b:s5+s2], $0x3500, $0x38;
	[tilespmem:$0x3B00] =	vst v63  }
0x1b: {  	_ =	swait.ge [sflag:s11], $0x3500  }
0x1c: {  	[sflag:s11] =	ssyncset.done $0x0  }
0x1d: {  	[sflag:s11] =	ssyncadd.s32 $0xFFFFCB00  }
0x1e: {  	s16 =	simm.s32 $0x280;
	[bflag:$0x0] =	sbarrier.arrive $0xFFFF  }
0x1f: {  	[spmem:s1] =	stream.indirect.scatter.add.f32 [tilespmem:s13], [sflag:$0x2], $0x1, s16, s12, $0xb8;
	[tilespmem:$0x3B00] =	vst v63  }
0x20: {  	s16 =	simm.s32 $0x200;
	_ =	swait.ge [sflag:s9], $0x60  }
.LBB2_2:
0x21: {  	s17 =	sshra.s32 s16, $0x2;
	[sflag:s9] =	ssyncset.done $0x0;
	p1 =	sne.s32 s16, $0xD200  }
.Ltmp0:
0x22: {  	s17 =	sadd.s32 $0x280, s17;
	[sflag:s9] =	ssyncadd.s32 $0xFFFFFFA0;
	(pc) =	sbr.rel @p1 .LBB2_2-.Ltmp0, $3  }
0x23: {  	[spmem:s1] =	stream.indirect.scatter.add.f32 [tilespmem:s13], [sflag:$0x2], $0x1, s17, s12, $0xb8;
	[tilespmem:$0x3B00] =	vst v63  }
0x24: {  	s16 =	sadd.s32 $0x200, s16;
	_ =	sdelay $0x1  }
0x25: {  	_ =	swait.ge [sflag:s9], $0x60  }
0x26: {  	[sflag:s9] =	ssyncset.done $0x0;
	s16 =	simm.s32 @!p0 $0x1  }
0x27: {  	s17 =	simm.s32 @!p0 $0x20;
	s15 =	sadd.s32 $0x1, s15;
	[sflag:s9] =	ssyncadd.s32 $0xFFFFFFA0  }
0x28: {  	s18 =	simm.s32 @!p0 $0x10;
	p1 =	sne.s32 s15, s7;
	[bflag:$0x0] =	sbarrier.arrive $0xFFFF  }
0x29: {  	[hbm:s6@s17], [sflag:s4] =	dma.strided @!p0 [spmem:s14@s18], $0x500, s16, $0x10   }
.Ltmp1:
0x2a: {  	_ = 	snop;
	(pc) =	sbr.rel @p1 .LBB2_1-.Ltmp1, $4  }
0x2b: {  	s16 =	simm.s32 @!p0 $0x2  }
0x2c: {  	_ =	swait.ge @!p0 [sflag:s16], $0x500  }
0x2d: {  	[sflag:s16] =	ssyncset.done @!p0 $0x0  }
0x2e: {  	[sflag:s16] =	ssyncadd.s32 @!p0 $0xFFFFFB00  }
0x2f: {  	_ =	sfence.sel $0x180000  }
0x30: {  	[bflag:$0x0] =	sbarrier.arrive $0xFFFF  }
0x31: {  	_ =	strace $0x90000047  }
0x32: {  	s0 =	sadd.s32 @!p0 $0x100000, s0;
	[bflag:$0x2] =	sbarrier.arrive $0xFFFF  }
0x33: {  	[sflag:s0] =	ssyncadd.tile.s32 @!p0 $0x1;
	_ =	shalt  }
.Lfunc_end2:
_tile_overlayer_lowered:
.L_overlay_start_2:
0x34: {  	(tag) =	ssettag $0x2  }
0x35: {  	s0 =	rddreg [dreg:$0x0];
	s2 =	stileid.u32  }
0x36: {  	s1 =	rddreg [dreg:$0x1];
	p0 =	sne.s32 s2, $0x0  }
0x37: {  	s3 =	rddreg [dreg:$0x2];
	[bflag:$0x3] =	sbarrier.arrive $0xFFFF;
	s2 =	simm.s32 @!p0 $0x1C02  }
0x38: {  	[timem:s3], [sflag:s2] =	dma.local @!p0 [hbm:s0], s1  }
0x39: {  	s0 =	simm.s32 @!p0 $0x2  }
0x3a: {  	_ =	swait.ge @!p0 [sflag:s0], s1  }
0x3b: {  	s1 =	ssub.s32 @!p0 $0x0, s1;
	[sflag:s0] =	ssyncset.done @!p0 $0x0  }
0x3c: {  	[sflag:s0] =	ssyncadd.s32 @!p0 s1  }
0x3d: {  	[bflag:$0x3] =	sbarrier.arrive $0xFFFF  }
0x3e: {  	_ =	shalt  }

</sc_bundles>
